<compile_context>
chip_gen: v7x
topology: tpu7x:2x2x1
jax: 0.10.2.dev20260603
libtpu: 0.0.44.dev20260713+nightly
codegen_flags: <defaults>
</compile_context>

<pallas_src>
import functools

import jax
import jax.numpy as jnp
from jax import lax
from jax.experimental import pallas as pl
from jax.experimental.pallas import tpu as pltpu
from jax.experimental.pallas import tpu_sc as plsc

NC = 2
NS = 16
L = 16
NT = NC * NS
CH = 128


def _mesh():
    return plsc.VectorSubcoreMesh(
        core_axis_name="c", subcore_axis_name="s", num_cores=NC, num_subcores=NS
    )


def _wid():
    return lax.axis_index("s") * NC + lax.axis_index("c")


KEEP_S = 1 << 27
DROP_S = KEEP_S + 1
FOR_S = KEEP_S + 2
WINK = 1 << 28
TBITS = 18
TSIZE = 1 << TBITS
NROUND = 2
HASH_C = (0x9E3779B9, 0x85EBCA6B, 0xC2B2AE35, 0x27D4EB2F, 0x165667B1)


def _hc(idx):
    import numpy as _np
    return jnp.int32(_np.int32(_np.uint32(HASH_C[idx % len(HASH_C)])))


def _kd_body(ept_sc, epad, e_real, n, npad, rows_ref, cols_ref, hist_ref,
             row2_ref, rc1, key1, s1, w1, id1, zb, tab_s, hist_s):
    cid = lax.axis_index("c")
    sid = lax.axis_index("s")
    slc = npad // NS
    lane = lax.iota(jnp.int32, L)
    mask_t = TSIZE - 1
    nv = ept_sc // L

    def z(i, c):
        zb[pl.ds(i * L, L)] = jnp.zeros((L,), jnp.int32)
        return c

    lax.fori_loop(0, slc // L, z, 0)
    pltpu.sync_copy(zb, hist_s.at[pl.ds(sid * slc, slc)])

    tbase = sid * ept_sc
    pltpu.sync_copy(rows_ref.at[pl.ds(tbase, ept_sc)], rc1)
    pltpu.sync_copy(cols_ref.at[pl.ds(tbase, ept_sc)], key1)

    def keys(v, c):
        sl = pl.ds(v * L, L)
        r = rc1[sl]
        cc = key1[sl]
        kk = r * n + cc
        own = lax.shift_right_logical(kk * jnp.int32(-1640531527), 1) & 1
        mine_i = jnp.where((own - cid) == 0, 1, 0)
        gid = (tbase + v * L) + lane
        rc1[sl] = r * 65536 + cc
        kk = jnp.where(mine_i == 1, kk, FOR_S)
        key1[sl] = jnp.where(gid < e_real, kk, DROP_S)
        id1[sl] = gid
        return c

    lax.fori_loop(0, nv, keys, 0)
    plsc.subcore_barrier()

    def rnd(r, cc):
        cr = jnp.int32(-1966918051) + r * jnp.int32(668265263)

        def aslot(v, c):
            sl = pl.ds(v * L, L)
            kk = key1[sl]
            h = lax.shift_right_logical(kk * cr, 8) & mask_t
            s1[sl] = jnp.where(kk < KEEP_S, h, TSIZE)
            w1[sl] = kk * 32 + (id1[sl] & 31)
            return c

        lax.fori_loop(0, nv, aslot, 0)
        pltpu.sync_copy(w1, tab_s.at[s1])
        plsc.subcore_barrier()
        pltpu.sync_copy(tab_s.at[s1], w1)

        def amark(v, c):
            sl = pl.ds(v * L, L)
            kk = key1[sl]
            und_i = jnp.where(kk < KEEP_S, 1, 0)
            pk = kk * 32 + (id1[sl] & 31)
            wkey = lax.shift_right_logical(w1[sl], 5)
            eqf_i = jnp.where(w1[sl] == pk, 1, 0)
            eqk_i = jnp.where(wkey == kk, 1, 0)
            keep_i = und_i * eqf_i
            drop_i = und_i * eqk_i * (1 - eqf_i)
            kk = jnp.where(keep_i == 1, KEEP_S, kk)
            kk = jnp.where(drop_i == 1, DROP_S, kk)
            key1[sl] = kk
            return c

        lax.fori_loop(0, nv, amark, 0)
        plsc.subcore_barrier()
        return cc

    lax.fori_loop(0, NROUND, rnd, 0)

    cv = jnp.int32(-1531793251)

    def vslot(v, c):
        sl = pl.ds(v * L, L)
        kk = key1[sl]
        act = jnp.where(kk == KEEP_S, 1, 0) + jnp.where(kk < KEEP_S, 1, 0)
        rc = rc1[sl]
        kreal = lax.shift_right_logical(rc, 16) * n + (rc & 65535)
        h = lax.shift_right_logical(kreal * cv, 8) & mask_t
        s1[sl] = jnp.where(act == 1, h, TSIZE)
        w1[sl] = kreal * 32 + (lax.shift_right_logical(id1[sl], 5) & 31)
        return c

    lax.fori_loop(0, nv, vslot, 0)
    pltpu.sync_copy(w1, tab_s.at[s1])
    plsc.subcore_barrier()
    pltpu.sync_copy(tab_s.at[s1], w1)

    def vmark(v, c):
        sl = pl.ds(v * L, L)
        kk = key1[sl]
        act = jnp.where(kk == KEEP_S, 1, 0) + jnp.where(kk < KEEP_S, 1, 0)
        rc = rc1[sl]
        kreal = lax.shift_right_logical(rc, 16) * n + (rc & 65535)
        pk = kreal * 32 + (lax.shift_right_logical(id1[sl], 5) & 31)
        wkey = lax.shift_right_logical(w1[sl], 5)
        eqf_i = jnp.where(w1[sl] == pk, 1, 0)
        eqk_i = jnp.where(wkey == kreal, 1, 0)
        drop_i = act * eqk_i * (1 - eqf_i)
        key1[sl] = jnp.where(drop_i == 1, DROP_S, kk)
        return c

    lax.fori_loop(0, nv, vmark, 0)
    plsc.subcore_barrier()

    def fin(v, c):
        sl = pl.ds(v * L, L)
        kk = key1[sl]
        nf_i = jnp.where(kk != FOR_S, 1, 0)
        nd_i = jnp.where(kk != DROP_S, 1, 0)
        keepb_i = nf_i * nd_i
        r = lax.shift_right_logical(rc1[sl], 16)
        key1[sl] = keepb_i
        s1[sl] = r
        rc1[sl] = jnp.where(keepb_i == 1, r, npad - 1)
        return c

    lax.fori_loop(0, nv, fin, 0)
    pltpu.sync_copy(key1, hist_s.at[s1], add=True)
    pltpu.sync_copy(rc1, row2_ref.at[pl.ds(cid * epad + tbase, ept_sc)])
    plsc.subcore_barrier()
    pltpu.sync_copy(hist_s.at[pl.ds(sid * slc, slc)],
                    hist_ref.at[pl.ds(cid * npad + sid * slc, slc)])


def _k4_body(ncht_sc, npad, dim, cols_ref, row2_ref, t_ref, acc_ref,
             co2, rr2, rbv, buf0, buf1, zb2, acc_s,
             gs0, gs1, as0, as1):
    cid = lax.axis_index("c")
    sid = lax.axis_index("s")
    half = npad // 2
    zrows = (half + CH) // NS
    hrows = half // NS

    def z(i, c):
        for k in range(dim // L):
            zb2[i, pl.ds(k * L, L)] = jnp.zeros((L,), jnp.float32)
        return c

    lax.fori_loop(0, 8, z, 0)

    def zs(j, c):
        pltpu.sync_copy(zb2, acc_s.at[pl.ds(sid * zrows + j * 8, 8)])
        return c

    lax.fori_loop(0, zrows // 8, zs, 0)
    plsc.subcore_barrier()

    cbase = sid * ncht_sc
    pltpu.sync_copy(cols_ref.at[pl.ds(cbase, ncht_sc)], co2)
    pltpu.sync_copy(row2_ref.at[0, pl.ds(cbase, ncht_sc)], rr2)

    base = cid * half

    def remap(i, c):
        pltpu.sync_copy(row2_ref.at[1, cbase + i], rbv)
        for k in range(CH // L):
            sl = pl.ds(k * L, L)
            local = jnp.minimum(rr2[i, sl], rbv[sl]) - base
            ok = (local >= 0) & (local < half)
            rr2[i, sl] = jnp.where(ok, local, half)
        return c

    lax.fori_loop(0, ncht_sc, remap, 0)

    NB = 2
    bufs = (buf0, buf1)
    gsems = (gs0, gs1)
    asems = (as0, as1)
    for b in range(min(NB, ncht_sc)):
        pltpu.async_copy(t_ref.at[co2.at[b]], bufs[b], gsems[b])
    nsteady = max(0, (ncht_sc - NB) // NB)

    def grp(it, c):
        i0 = it * NB
        for b in range(NB):
            i = i0 + b
            pltpu.make_async_copy(t_ref.at[co2.at[0]], bufs[b],
                                  gsems[b]).wait()
            pltpu.async_copy(bufs[b], acc_s.at[rr2.at[i]], asems[b], add=True)
            pltpu.make_async_copy(bufs[b], acc_s.at[rr2.at[0]],
                                  asems[b]).wait()
            pltpu.async_copy(t_ref.at[co2.at[i + NB]], bufs[b], gsems[b])
        return c

    lax.fori_loop(0, nsteady, grp, 0)
    for i in range(nsteady * NB, ncht_sc):
        b = i % NB
        pltpu.make_async_copy(t_ref.at[co2.at[0]], bufs[b], gsems[b]).wait()
        pltpu.sync_copy(bufs[b], acc_s.at[rr2.at[i]], add=True)
        if i + NB < ncht_sc:
            pltpu.async_copy(t_ref.at[co2.at[i + NB]], bufs[b], gsems[b])
    plsc.subcore_barrier()
    pltpu.sync_copy(acc_s.at[pl.ds(sid * hrows, hrows)],
                    acc_ref.at[pl.ds(base + sid * hrows, hrows)])


def _k3_body(x_ref, w_ref, h_ref, f_ref, s_ref, t_ref):
    s = jnp.dot(x_ref[...], w_ref[...], preferred_element_type=jnp.float32)
    h = h_ref[...]
    deg = (h[0] + h[1]).astype(jnp.float32) + 1.0
    f = f_ref[...]
    d = f * (lax.rsqrt(deg) - 1.0) + 1.0
    s_ref[...] = s
    t_ref[...] = d * s


def _k5_body(acc_ref, h_ref, s_ref, b_ref, f_ref, o_ref):
    h = h_ref[...]
    deg = (h[0] + h[1]).astype(jnp.float32) + 1.0
    f = f_ref[...]
    d = f * (lax.rsqrt(deg) - 1.0) + 1.0
    o_ref[...] = d * (acc_ref[...] + d * s_ref[...]) + b_ref[...]


def kernel(input, edge_index, need_norm, weight, bias):
    x = input.astype(jnp.float32)
    n, d_in = x.shape
    d_out = weight.shape[1]
    e = edge_index.shape[1]

    npad = ((n + 1 + 255) // 256) * 256
    blk = 128
    ngrid = npad // blk

    quantum = NT * CH * 8
    epad = ((e + quantum - 1) // quantum) * quantum
    ei = edge_index.astype(jnp.int32)
    if epad != e:
        pad = jnp.broadcast_to(ei[:, :1], (2, epad - e))
        ei = jnp.concatenate([ei, pad], axis=1)
    rows = ei[0]
    cols = ei[1]

    f32 = jnp.float32
    i32 = jnp.int32

    nchunks = epad // CH
    ncht_sc = nchunks // NS
    ept_sc = epad // NS
    kd = pl.kernel(
        functools.partial(_kd_body, ept_sc, epad, e, n, npad),
        out_type=(
            jax.ShapeDtypeStruct((2 * npad,), i32),
            jax.ShapeDtypeStruct((2 * epad,), i32),
        ),
        mesh=_mesh(),
        scratch_types=[
            pltpu.VMEM((ept_sc,), i32),
            pltpu.VMEM((ept_sc,), i32),
            pltpu.VMEM((ept_sc,), i32),
            pltpu.VMEM((ept_sc,), i32),
            pltpu.VMEM((ept_sc,), i32),
            pltpu.VMEM((npad // NS,), i32),
            pltpu.VMEM_SHARED((TSIZE + CH,), i32),
            pltpu.VMEM_SHARED((npad,), i32),
        ],
    )
    hist, row2f = kd(rows, cols)
    row2 = row2f.reshape(2, nchunks, CH)
    cols2d = cols.reshape(nchunks, CH)

    xp = jnp.pad(x, ((0, npad - n), (0, 0)))
    hist3 = hist.reshape(2, npad, 1)
    flag = (need_norm != 0).astype(f32).reshape(1, 1)
    s, t = pl.pallas_call(
        _k3_body,
        grid=(ngrid,),
        in_specs=[
            pl.BlockSpec((blk, d_in), lambda i: (i, 0)),
            pl.BlockSpec((d_in, d_out), lambda i: (0, 0)),
            pl.BlockSpec((2, blk, 1), lambda i: (0, i, 0)),
            pl.BlockSpec((1, 1), lambda i: (0, 0)),
        ],
        out_specs=[
            pl.BlockSpec((blk, d_out), lambda i: (i, 0)),
            pl.BlockSpec((blk, d_out), lambda i: (i, 0)),
        ],
        out_shape=[
            jax.ShapeDtypeStruct((npad, d_out), f32),
            jax.ShapeDtypeStruct((npad, d_out), f32),
        ],
    )(xp, weight.astype(f32), hist3, flag)

    k4 = pl.kernel(
        functools.partial(_k4_body, ncht_sc, npad, d_out),
        out_type=jax.ShapeDtypeStruct((npad, d_out), f32),
        mesh=_mesh(),
        scratch_types=[
            pltpu.VMEM((ncht_sc, CH), i32),
            pltpu.VMEM((ncht_sc, CH), i32),
            pltpu.VMEM((CH,), i32),
            pltpu.VMEM((CH, d_out), f32),
            pltpu.VMEM((CH, d_out), f32),
            pltpu.VMEM((8, d_out), f32),
            pltpu.VMEM_SHARED((npad // 2 + CH, d_out), f32),
            pltpu.SemaphoreType.DMA,
            pltpu.SemaphoreType.DMA,
            pltpu.SemaphoreType.DMA,
            pltpu.SemaphoreType.DMA,
        ],
    )
    acc = k4(cols2d, row2, t)

    out = pl.pallas_call(
        _k5_body,
        grid=(ngrid,),
        in_specs=[
            pl.BlockSpec((blk, d_out), lambda i: (i, 0)),
            pl.BlockSpec((2, blk, 1), lambda i: (0, i, 0)),
            pl.BlockSpec((blk, d_out), lambda i: (i, 0)),
            pl.BlockSpec((1, d_out), lambda i: (0, 0)),
            pl.BlockSpec((1, 1), lambda i: (0, 0)),
        ],
        out_specs=pl.BlockSpec((blk, d_out), lambda i: (i, 0)),
        out_shape=jax.ShapeDtypeStruct((npad, d_out), f32),
    )(acc, hist3, s, bias.astype(f32).reshape(1, d_out), flag)

    return out[:n]

# --- scband reference (transcript-rebuilt; emitter-appended) ---
"""Pipeline reference for scband-graph-convolution-22144851378250 (READ-ONLY COPY).

The authoritative reference and input builder live on the scoring server;
editing this copy changes nothing except your own understanding.
"""

import jax, jax.numpy as jnp
import numpy as np

N = 10000
E = 320000
D_IN = 128
D_OUT = 128


def setup_inputs(seed: int = 0) -> dict:
    key = jax.random.key(seed)
    k1, k2, k3, k4 = jax.random.split(key, 4)
    x = jax.random.normal(k1, (N, D_IN), dtype=jnp.float32)
    edge_index = jax.random.randint(k2, (2, E), 0, N, dtype=jnp.int32)
    stdv = 1.0 / np.sqrt(D_OUT)
    weight = jax.random.uniform(k3, (D_IN, D_OUT), minval=-stdv, maxval=stdv, dtype=jnp.float32)
    bias = jax.random.uniform(k4, (D_OUT,), minval=-stdv, maxval=stdv, dtype=jnp.float32)
    return {"input": x, "edge_index": edge_index, "need_norm": 1, "weight": weight, "bias": bias}


def reference(input, edge_index, need_norm, weight, bias):
    n = input.shape[0]
    row, col = edge_index[0], edge_index[1]
    # adjacency_matrix: scatter-overwrite 1.0 at (row, col), then add identity
    adj = jnp.zeros((n, n), dtype=jnp.float32).at[row, col].set(1.0)
    diag = jnp.arange(n)
    adj = adj.at[diag, diag].add(1.0)
    deg = jnp.sum(adj, axis=1)
    deg_inv_sqrt = jnp.power(deg, -0.5)
    deg_inv_sqrt = jnp.where(jnp.isinf(deg_inv_sqrt), 0.0, deg_inv_sqrt)
    # diag(d) @ adj @ diag(d)
    adj_norm = deg_inv_sqrt[:, None] * adj * deg_inv_sqrt[None, :]
    adj = jnp.where(need_norm != 0, adj_norm, adj)
    support = input @ weight
    output = adj @ support
    return output + bias

if __name__ == "__main__":
    import jax
    _d = setup_inputs()
    print(jax.jit(kernel)(*tuple(_d.values())))

</pallas_src>

<mosaic_0001>
#map = affine_map<(d0, d1) -> (0, 0)>
#map1 = affine_map<(d0, d1) -> (0, 0, 0)>
module attributes {stable_mosaic.version = 14 : i64} {
  func.func @_k4_body(%arg0: i32, %arg1: i32, %arg2: memref<2560x128xi32, #tpu.memory_space<hbm>>, %arg3: memref<2x2560x128xi32, #tpu.memory_space<hbm>>, %arg4: memref<10240x128xf32, #tpu.memory_space<hbm>>, %arg5: memref<10240x128xf32, #tpu.memory_space<hbm>>, %arg6: memref<160x128xi32, #tpu.memory_space<vmem>>, %arg7: memref<160x128xi32, #tpu.memory_space<vmem>>, %arg8: memref<128xi32, #tpu.memory_space<vmem>>, %arg9: memref<128x128xf32, #tpu.memory_space<vmem>>, %arg10: memref<128x128xf32, #tpu.memory_space<vmem>>, %arg11: memref<8x128xf32, #tpu.memory_space<vmem>>, %arg12: memref<5248x128xf32, #tpu.memory_space<vmem_shared>>, %arg13: memref<!tpu.dma_semaphore, #tpu.memory_space<semaphore_mem>>, %arg14: memref<!tpu.dma_semaphore, #tpu.memory_space<semaphore_mem>>, %arg15: memref<!tpu.dma_semaphore, #tpu.memory_space<semaphore_mem>>, %arg16: memref<!tpu.dma_semaphore, #tpu.memory_space<semaphore_mem>>) attributes {dimension_semantics = [#tpu.dimension_semantics<core_parallel>, #tpu.dimension_semantics<subcore_parallel>], iteration_bounds = array<i64: 2, 16>, scalar_prefetch = 0 : i64, scratch_operands = 11 : i64, tpu.core_type = #tpu.core_type<sc_vector_subcore>, window_params = [{transform_indices = #map}, {transform_indices = #map1}, {transform_indices = #map}, {transform_indices = #map}]} {
    %scan3A = arith.constant 0 : i32
    %scan3A_0 = arith.constant 0 : i32
    %scan3A_1 = arith.constant 8 : i32
    %scan3A_2 = arith.addi %scan3A_0, %scan3A_1 : i32
    %scan3A_3 = arith.constant 1 : i32
    scf.for %scan3A_59 = %scan3A_0 to %scan3A_2 step %scan3A_3  : i32 {
      %broadcast_in_dim3A = arith.constant 0.000000e+00 : f32
      %broadcast_in_dim3A_60 = vector.broadcast %broadcast_in_dim3A : f32 to vector<16xf32>
      %swap3A = arith.index_cast %scan3A_59 : i32 to index
      %swap3A_61 = arith.constant 0 : index
      %swap3A_62 = tpu.vector_load %arg11[%swap3A, %swap3A_61] {strides = array<i32>} : memref<8x128xf32, #tpu.memory_space<vmem>>, vector<1x16xf32>,
      %swap3A_63 = vector.shape_cast %swap3A_62 : vector<1x16xf32> to vector<16xf32>
      %swap3A_64 = vector.shape_cast %broadcast_in_dim3A_60 : vector<16xf32> to vector<1x16xf32>
      tpu.vector_store %arg11[%swap3A, %swap3A_61], %swap3A_64 {strides = array<i32>} : memref<8x128xf32, #tpu.memory_space<vmem>>, vector<1x16xf32>,
      %broadcast_in_dim3A_65 = arith.constant 0.000000e+00 : f32
      %broadcast_in_dim3A_66 = vector.broadcast %broadcast_in_dim3A_65 : f32 to vector<16xf32>
      %swap3A_67 = arith.index_cast %scan3A_59 : i32 to index
      %swap3A_68 = arith.constant 16 : index
      %swap3A_69 = tpu.vector_load %arg11[%swap3A_67, %swap3A_68] {strides = array<i32>} : memref<8x128xf32, #tpu.memory_space<vmem>>, vector<1x16xf32>,
      %swap3A_70 = vector.shape_cast %swap3A_69 : vector<1x16xf32> to vector<16xf32>
      %swap3A_71 = vector.shape_cast %broadcast_in_dim3A_66 : vector<16xf32> to vector<1x16xf32>
      tpu.vector_store %arg11[%swap3A_67, %swap3A_68], %swap3A_71 {strides = array<i32>} : memref<8x128xf32, #tpu.memory_space<vmem>>, vector<1x16xf32>,
      %broadcast_in_dim3A_72 = arith.constant 0.000000e+00 : f32
      %broadcast_in_dim3A_73 = vector.broadcast %broadcast_in_dim3A_72 : f32 to vector<16xf32>
      %swap3A_74 = arith.index_cast %scan3A_59 : i32 to index
      %swap3A_75 = arith.constant 32 : index
      %swap3A_76 = tpu.vector_load %arg11[%swap3A_74, %swap3A_75] {strides = array<i32>} : memref<8x128xf32, #tpu.memory_space<vmem>>, vector<1x16xf32>,
      %swap3A_77 = vector.shape_cast %swap3A_76 : vector<1x16xf32> to vector<16xf32>
      %swap3A_78 = vector.shape_cast %broadcast_in_dim3A_73 : vector<16xf32> to vector<1x16xf32>
      tpu.vector_store %arg11[%swap3A_74, %swap3A_75], %swap3A_78 {strides = array<i32>} : memref<8x128xf32, #tpu.memory_space<vmem>>, vector<1x16xf32>,
      %broadcast_in_dim3A_79 = arith.constant 0.000000e+00 : f32
      %broadcast_in_dim3A_80 = vector.broadcast %broadcast_in_dim3A_79 : f32 to vector<16xf32>
      %swap3A_81 = arith.index_cast %scan3A_59 : i32 to index
      %swap3A_82 = arith.constant 48 : index
      %swap3A_83 = tpu.vector_load %arg11[%swap3A_81, %swap3A_82] {strides = array<i32>} : memref<8x128xf32, #tpu.memory_space<vmem>>, vector<1x16xf32>,
      %swap3A_84 = vector.shape_cast %swap3A_83 : vector<1x16xf32> to vector<16xf32>
      %swap3A_85 = vector.shape_cast %broadcast_in_dim3A_80 : vector<16xf32> to vector<1x16xf32>
      tpu.vector_store %arg11[%swap3A_81, %swap3A_82], %swap3A_85 {strides = array<i32>} : memref<8x128xf32, #tpu.memory_space<vmem>>, vector<1x16xf32>,
      %broadcast_in_dim3A_86 = arith.constant 0.000000e+00 : f32
      %broadcast_in_dim3A_87 = vector.broadcast %broadcast_in_dim3A_86 : f32 to vector<16xf32>
      %swap3A_88 = arith.index_cast %scan3A_59 : i32 to index
      %swap3A_89 = arith.constant 64 : index
      %swap3A_90 = tpu.vector_load %arg11[%swap3A_88, %swap3A_89] {strides = array<i32>} : memref<8x128xf32, #tpu.memory_space<vmem>>, vector<1x16xf32>,
      %swap3A_91 = vector.shape_cast %swap3A_90 : vector<1x16xf32> to vector<16xf32>
      %swap3A_92 = vector.shape_cast %broadcast_in_dim3A_87 : vector<16xf32> to vector<1x16xf32>
      tpu.vector_store %arg11[%swap3A_88, %swap3A_89], %swap3A_92 {strides = array<i32>} : memref<8x128xf32, #tpu.memory_space<vmem>>, vector<1x16xf32>,
      %broadcast_in_dim3A_93 = arith.constant 0.000000e+00 : f32
      %broadcast_in_dim3A_94 = vector.broadcast %broadcast_in_dim3A_93 : f32 to vector<16xf32>
      %swap3A_95 = arith.index_cast %scan3A_59 : i32 to index
      %swap3A_96 = arith.constant 80 : index
      %swap3A_97 = tpu.vector_load %arg11[%swap3A_95, %swap3A_96] {strides = array<i32>} : memref<8x128xf32, #tpu.memory_space<vmem>>, vector<1x16xf32>,
      %swap3A_98 = vector.shape_cast %swap3A_97 : vector<1x16xf32> to vector<16xf32>
      %swap3A_99 = vector.shape_cast %broadcast_in_dim3A_94 : vector<16xf32> to vector<1x16xf32>
      tpu.vector_store %arg11[%swap3A_95, %swap3A_96], %swap3A_99 {strides = array<i32>} : memref<8x128xf32, #tpu.memory_space<vmem>>, vector<1x16xf32>,
      %broadcast_in_dim3A_100 = arith.constant 0.000000e+00 : f32
      %broadcast_in_dim3A_101 = vector.broadcast %broadcast_in_dim3A_100 : f32 to vector<16xf32>
      %swap3A_102 = arith.index_cast %scan3A_59 : i32 to index
      %swap3A_103 = arith.constant 96 : index
      %swap3A_104 = tpu.vector_load %arg11[%swap3A_102, %swap3A_103] {strides = array<i32>} : memref<8x128xf32, #tpu.memory_space<vmem>>, vector<1x16xf32>,
      %swap3A_105 = vector.shape_cast %swap3A_104 : vector<1x16xf32> to vector<16xf32>
      %swap3A_106 = vector.shape_cast %broadcast_in_dim3A_101 : vector<16xf32> to vector<1x16xf32>
      tpu.vector_store %arg11[%swap3A_102, %swap3A_103], %swap3A_106 {strides = array<i32>} : memref<8x128xf32, #tpu.memory_space<vmem>>, vector<1x16xf32>,
      %broadcast_in_dim3A_107 = arith.constant 0.000000e+00 : f32
      %broadcast_in_dim3A_108 = vector.broadcast %broadcast_in_dim3A_107 : f32 to vector<16xf32>
      %swap3A_109 = arith.index_cast %scan3A_59 : i32 to index
      %swap3A_110 = arith.constant 112 : index
      %swap3A_111 = tpu.vector_load %arg11[%swap3A_109, %swap3A_110] {strides = array<i32>} : memref<8x128xf32, #tpu.memory_space<vmem>>, vector<1x16xf32>,
      %swap3A_112 = vector.shape_cast %swap3A_111 : vector<1x16xf32> to vector<16xf32>
      %swap3A_113 = vector.shape_cast %broadcast_in_dim3A_108 : vector<16xf32> to vector<1x16xf32>
      tpu.vector_store %arg11[%swap3A_109, %swap3A_110], %swap3A_113 {strides = array<i32>} : memref<8x128xf32, #tpu.memory_space<vmem>>, vector<1x16xf32>,
    }
    %scan3A_4 = arith.constant 8 : i32
    %scan3A_5 = arith.constant 0 : i32
    %scan3A_6 = arith.constant 0 : i32
    %scan3A_7 = arith.constant 41 : i32
    %scan3A_8 = arith.addi %scan3A_6, %scan3A_7 : i32
    %scan3A_9 = arith.constant 1 : i32
    scf.for %scan3A_59 = %scan3A_6 to %scan3A_8 step %scan3A_9  : i32 {
      %mul3A_60 = arith.constant 328 : i32
      %mul3A_61 = arith.muli %arg1, %mul3A_60 : i32
      %mul3A_62 = arith.constant 8 : i32
      %mul3A_63 = arith.muli %scan3A_59, %mul3A_62 : i32
      %add3A_64 = arith.addi %mul3A_61, %mul3A_63 : i32
      "tpu.region"() ({
        %run_scoped3A_65 = tpu.sem_alloc : memref<!tpu.dma_semaphore, #tpu.memory_space<semaphore_mem>>
        %dma_start3A_66 = arith.constant 0 : i32
        %dma_start3A_67 = tpu.memref_slice %arg12[%add3A_64, %dma_start3A_66] : memref<5248x128xf32, #tpu.memory_space<vmem_shared>> -> memref<8x128xf32, #tpu.memory_space<vmem_shared>>
        %dma_start3A_68 = arith.constant 0 : i32
        %dma_start3A_69 = tpu.memref_slice %arg12[%add3A_64, %dma_start3A_68] : memref<5248x128xf32, #tpu.memory_space<vmem_shared>> -> memref<8x128xf32, #tpu.memory_space<vmem_shared>>
        tpu.enqueue_dma source(%arg11 : memref<8x128xf32, #tpu.memory_space<vmem>>) target(%dma_start3A_69 : memref<8x128xf32, #tpu.memory_space<vmem_shared>>) target_semaphore(%run_scoped3A_65 : memref<!tpu.dma_semaphore, #tpu.memory_space<semaphore_mem>>)
        %dma_wait3A_70 = arith.constant 0 : i32
        %dma_wait3A_71 = tpu.memref_slice %arg12[%add3A_64, %dma_wait3A_70] : memref<5248x128xf32, #tpu.memory_space<vmem_shared>> -> memref<8x128xf32, #tpu.memory_space<vmem_shared>>
        %dma_wait3A_72 = arith.constant 0 : i32
        %dma_wait3A_73 = tpu.memref_slice %arg12[%add3A_64, %dma_wait3A_72] : memref<5248x128xf32, #tpu.memory_space<vmem_shared>> -> memref<8x128xf32, #tpu.memory_space<vmem_shared>>
        tpu.wait_dma2 semaphore(%run_scoped3A_65 : memref<!tpu.dma_semaphore, #tpu.memory_space<semaphore_mem>>) src(%arg11 : memref<8x128xf32, #tpu.memory_space<vmem>>) dst(%dma_wait3A_73 : memref<8x128xf32, #tpu.memory_space<vmem_shared>>)
        tpu.yield
      }) : () -> ()
    }
    %scan3A_10 = arith.constant 41 : i32
    %barrier3A = arith.constant 0 : index
    tpu.barrier barrier_id(%barrier3A)
    %mul3A = arith.constant 160 : i32
    %mul3A_11 = arith.muli %arg1, %mul3A : i32
    "tpu.region"() ({
      %run_scoped3A_59 = tpu.sem_alloc : memref<!tpu.dma_semaphore, #tpu.memory_space<semaphore_mem>>
      %dma_start3A_60 = arith.constant 0 : i32
      %dma_start3A_61 = tpu.memref_slice %arg2[%mul3A_11, %dma_start3A_60] : memref<2560x128xi32, #tpu.memory_space<hbm>> -> memref<160x128xi32, #tpu.memory_space<hbm>>
      %dma_start3A_62 = arith.constant 0 : i32
      %dma_start3A_63 = tpu.memref_slice %arg2[%mul3A_11, %dma_start3A_62] : memref<2560x128xi32, #tpu.memory_space<hbm>> -> memref<160x128xi32, #tpu.memory_space<hbm>>
      tpu.enqueue_dma source(%dma_start3A_63 : memref<160x128xi32, #tpu.memory_space<hbm>>) target(%arg6 : memref<160x128xi32, #tpu.memory_space<vmem>>) target_semaphore(%run_scoped3A_59 : memref<!tpu.dma_semaphore, #tpu.memory_space<semaphore_mem>>)
      %dma_wait3A_64 = arith.constant 0 : i32
      %dma_wait3A_65 = tpu.memref_slice %arg2[%mul3A_11, %dma_wait3A_64] : memref<2560x128xi32, #tpu.memory_space<hbm>> -> memref<160x128xi32, #tpu.memory_space<hbm>>
      %dma_wait3A_66 = arith.constant 0 : i32
      %dma_wait3A_67 = tpu.memref_slice %arg2[%mul3A_11, %dma_wait3A_66] : memref<2560x128xi32, #tpu.memory_space<hbm>> -> memref<160x128xi32, #tpu.memory_space<hbm>>
      tpu.wait_dma2 semaphore(%run_scoped3A_59 : memref<!tpu.dma_semaphore, #tpu.memory_space<semaphore_mem>>) src(%dma_wait3A_67 : memref<160x128xi32, #tpu.memory_space<hbm>>) dst(%arg6 : memref<160x128xi32, #tpu.memory_space<vmem>>)
      tpu.yield
    }) : () -> ()
    %run_scoped3A = arith.constant 0 : i32
    "tpu.region"() ({
      %run_scoped3A_59 = tpu.sem_alloc : memref<!tpu.dma_semaphore, #tpu.memory_space<semaphore_mem>>
      %dma_start3A_60 = arith.constant 0 : i32
      %dma_start3A_61 = tpu.memref_slice %arg3[%run_scoped3A, %mul3A_11, %dma_start3A_60] : memref<2x2560x128xi32, #tpu.memory_space<hbm>> -> memref<1x160x128xi32, #tpu.memory_space<hbm>>
      %dma_start3A_62 = tpu.memref_squeeze %dma_start3A_61 : memref<1x160x128xi32, #tpu.memory_space<hbm>> -> memref<160x128xi32, #tpu.memory_space<hbm>>
      %dma_start3A_63 = arith.constant 0 : i32
      %dma_start3A_64 = tpu.memref_slice %arg3[%run_scoped3A, %mul3A_11, %dma_start3A_63] : memref<2x2560x128xi32, #tpu.memory_space<hbm>> -> memref<1x160x128xi32, #tpu.memory_space<hbm>>
      %dma_start3A_65 = tpu.memref_squeeze %dma_start3A_64 : memref<1x160x128xi32, #tpu.memory_space<hbm>> -> memref<160x128xi32, #tpu.memory_space<hbm>>
      tpu.enqueue_dma source(%dma_start3A_65 : memref<160x128xi32, #tpu.memory_space<hbm>>) target(%arg7 : memref<160x128xi32, #tpu.memory_space<vmem>>) target_semaphore(%run_scoped3A_59 : memref<!tpu.dma_semaphore, #tpu.memory_space<semaphore_mem>>)
      %dma_wait3A_66 = arith.constant 0 : i32
      %dma_wait3A_67 = tpu.memref_slice %arg3[%run_scoped3A, %mul3A_11, %dma_wait3A_66] : memref<2x2560x128xi32, #tpu.memory_space<hbm>> -> memref<1x160x128xi32, #tpu.memory_space<hbm>>
      %dma_wait3A_68 = tpu.memref_squeeze %dma_wait3A_67 : memref<1x160x128xi32, #tpu.memory_space<hbm>> -> memref<160x128xi32, #tpu.memory_space<hbm>>
      %dma_wait3A_69 = arith.constant 0 : i32
      %dma_wait3A_70 = tpu.memref_slice %arg3[%run_scoped3A, %mul3A_11, %dma_wait3A_69] : memref<2x2560x128xi32, #tpu.memory_space<hbm>> -> memref<1x160x128xi32, #tpu.memory_space<hbm>>
      %dma_wait3A_71 = tpu.memref_squeeze %dma_wait3A_70 : memref<1x160x128xi32, #tpu.memory_space<hbm>> -> memref<160x128xi32, #tpu.memory_space<hbm>>
      tpu.wait_dma2 semaphore(%run_scoped3A_59 : memref<!tpu.dma_semaphore, #tpu.memory_space<semaphore_mem>>) src(%dma_wait3A_71 : memref<160x128xi32, #tpu.memory_space<hbm>>) dst(%arg7 : memref<160x128xi32, #tpu.memory_space<vmem>>)
      tpu.yield
    }) : () -> ()
    %mul3A_12 = arith.constant 5120 : i32
    %mul3A_13 = arith.muli %arg0, %mul3A_12 : i32
    %scan3A_14 = arith.constant 0 : i32
    %scan3A_15 = arith.constant 0 : i32
    %scan3A_16 = arith.constant 160 : i32
    %scan3A_17 = arith.addi %scan3A_15, %scan3A_16 : i32
    %scan3A_18 = arith.constant 1 : i32
    scf.for %scan3A_59 = %scan3A_15 to %scan3A_17 step %scan3A_18  : i32 {
      %add3A_60 = arith.addi %mul3A_11, %scan3A_59 : i32
      %run_scoped3A_61 = arith.constant 1 : i32
      "tpu.region"() ({
        %run_scoped3A_252 = tpu.sem_alloc : memref<!tpu.dma_semaphore, #tpu.memory_space<semaphore_mem>>
        %dma_start3A_253 = arith.constant 0 : i32
        %dma_start3A_254 = tpu.memref_slice %arg3[%run_scoped3A_61, %add3A_60, %dma_start3A_253] : memref<2x2560x128xi32, #tpu.memory_space<hbm>> -> memref<1x1x128xi32, #tpu.memory_space<hbm>>
        %dma_start3A_255 = tpu.memref_squeeze %dma_start3A_254 : memref<1x1x128xi32, #tpu.memory_space<hbm>> -> memref<128xi32, #tpu.memory_space<hbm>>
        %dma_start3A_256 = arith.constant 0 : i32
        %dma_start3A_257 = tpu.memref_slice %arg3[%run_scoped3A_61, %add3A_60, %dma_start3A_256] : memref<2x2560x128xi32, #tpu.memory_space<hbm>> -> memref<1x1x128xi32, #tpu.memory_space<hbm>>
        %dma_start3A_258 = tpu.memref_squeeze %dma_start3A_257 : memref<1x1x128xi32, #tpu.memory_space<hbm>> -> memref<128xi32, #tpu.memory_space<hbm>>
        tpu.enqueue_dma source(%dma_start3A_258 : memref<128xi32, #tpu.memory_space<hbm>>) target(%arg8 : memref<128xi32, #tpu.memory_space<vmem>>) target_semaphore(%run_scoped3A_252 : memref<!tpu.dma_semaphore, #tpu.memory_space<semaphore_mem>>)
        %dma_wait3A_259 = arith.constant 0 : i32
        %dma_wait3A_260 = tpu.memref_slice %arg3[%run_scoped3A_61, %add3A_60, %dma_wait3A_259] : memref<2x2560x128xi32, #tpu.memory_space<hbm>> -> memref<1x1x128xi32, #tpu.memory_space<hbm>>
        %dma_wait3A_261 = tpu.memref_squeeze %dma_wait3A_260 : memref<1x1x128xi32, #tpu.memory_space<hbm>> -> memref<128xi32, #tpu.memory_space<hbm>>
        %dma_wait3A_262 = arith.constant 0 : i32
        %dma_wait3A_263 = tpu.memref_slice %arg3[%run_scoped3A_61, %add3A_60, %dma_wait3A_262] : memref<2x2560x128xi32, #tpu.memory_space<hbm>> -> memref<1x1x128xi32, #tpu.memory_space<hbm>>
        %dma_wait3A_264 = tpu.memref_squeeze %dma_wait3A_263 : memref<1x1x128xi32, #tpu.memory_space<hbm>> -> memref<128xi32, #tpu.memory_space<hbm>>
        tpu.wait_dma2 semaphore(%run_scoped3A_252 : memref<!tpu.dma_semaphore, #tpu.memory_space<semaphore_mem>>) src(%dma_wait3A_264 : memref<128xi32, #tpu.memory_space<hbm>>) dst(%arg8 : memref<128xi32, #tpu.memory_space<vmem>>)
        tpu.yield
      }) : () -> ()
      %get3A = arith.index_cast %scan3A_59 : i32 to index
      %get3A_62 = arith.constant 0 : index
      %get3A_63 = tpu.vector_load %arg7[%get3A, %get3A_62] {strides = array<i32>} : memref<160x128xi32, #tpu.memory_space<vmem>>, vector<1x16xi32>,
      %get3A_64 = vector.shape_cast %get3A_63 : vector<1x16xi32> to vector<16xi32>
      %get3A_65 = arith.constant 0 : index
      %get3A_66 = tpu.vector_load %arg8[%get3A_65] {strides = array<i32>} : memref<128xi32, #tpu.memory_space<vmem>>, vector<16xi32>,
      %get3A_67 = vector.shape_cast %get3A_66 : vector<16xi32> to vector<16xi32>
      %min3A = arith.minsi %get3A_64, %get3A_67 : vector<16xi32>
      %sub3A = vector.broadcast %mul3A_13 : i32 to vector<16xi32>
      %sub3A_68 = arith.subi %min3A, %sub3A : vector<16xi32>
      %ge3A = arith.constant 0 : i32
      %ge3A_69 = vector.broadcast %ge3A : i32 to vector<16xi32>
      %ge3A_70 = arith.cmpi sge, %sub3A_68, %ge3A_69 : vector<16xi32>
      %lt3A = arith.constant 5120 : i32
      %lt3A_71 = vector.broadcast %lt3A : i32 to vector<16xi32>
      %lt3A_72 = arith.cmpi slt, %sub3A_68, %lt3A_71 : vector<16xi32>
      %and3A = arith.andi %ge3A_70, %lt3A_72 : vector<16xi1>
      %jit3A = arith.constant 5120 : i32
      %broadcast_in_dim3A = vector.broadcast %jit3A : i32 to vector<16xi32>
      %select_n3A = arith.select %and3A, %sub3A_68, %broadcast_in_dim3A : vector<16xi1>, vector<16xi32>
      %swap3A = arith.index_cast %scan3A_59 : i32 to index
      %swap3A_73 = arith.constant 0 : index
      %swap3A_74 = tpu.vector_load %arg7[%swap3A, %swap3A_73] {strides = array<i32>} : memref<160x128xi32, #tpu.memory_space<vmem>>, vector<1x16xi32>,
      %swap3A_75 = vector.shape_cast %swap3A_74 : vector<1x16xi32> to vector<16xi32>
      %swap3A_76 = vector.shape_cast %select_n3A : vector<16xi32> to vector<1x16xi32>
      tpu.vector_store %arg7[%swap3A, %swap3A_73], %swap3A_76 {strides = array<i32>} : memref<160x128xi32, #tpu.memory_space<vmem>>, vector<1x16xi32>,
      %get3A_77 = arith.index_cast %scan3A_59 : i32 to index
      %get3A_78 = arith.constant 16 : index
      %get3A_79 = tpu.vector_load %arg7[%get3A_77, %get3A_78] {strides = array<i32>} : memref<160x128xi32, #tpu.memory_space<vmem>>, vector<1x16xi32>,
      %get3A_80 = vector.shape_cast %get3A_79 : vector<1x16xi32> to vector<16xi32>
      %get3A_81 = arith.constant 16 : index
      %get3A_82 = tpu.vector_load %arg8[%get3A_81] {strides = array<i32>} : memref<128xi32, #tpu.memory_space<vmem>>, vector<16xi32>,
      %get3A_83 = vector.shape_cast %get3A_82 : vector<16xi32> to vector<16xi32>
      %min3A_84 = arith.minsi %get3A_80, %get3A_83 : vector<16xi32>
      %sub3A_85 = vector.broadcast %mul3A_13 : i32 to vector<16xi32>
      %sub3A_86 = arith.subi %min3A_84, %sub3A_85 : vector<16xi32>
      %ge3A_87 = arith.constant 0 : i32
      %ge3A_88 = vector.broadcast %ge3A_87 : i32 to vector<16xi32>
      %ge3A_89 = arith.cmpi sge, %sub3A_86, %ge3A_88 : vector<16xi32>
      %lt3A_90 = arith.constant 5120 : i32
      %lt3A_91 = vector.broadcast %lt3A_90 : i32 to vector<16xi32>
      %lt3A_92 = arith.cmpi slt, %sub3A_86, %lt3A_91 : vector<16xi32>
      %and3A_93 = arith.andi %ge3A_89, %lt3A_92 : vector<16xi1>
      %jit3A_94 = arith.constant 5120 : i32
      %broadcast_in_dim3A_95 = vector.broadcast %jit3A_94 : i32 to vector<16xi32>
      %select_n3A_96 = arith.select %and3A_93, %sub3A_86, %broadcast_in_dim3A_95 : vector<16xi1>, vector<16xi32>
      %swap3A_97 = arith.index_cast %scan3A_59 : i32 to index
      %swap3A_98 = arith.constant 16 : index
      %swap3A_99 = tpu.vector_load %arg7[%swap3A_97, %swap3A_98] {strides = array<i32>} : memref<160x128xi32, #tpu.memory_space<vmem>>, vector<1x16xi32>,
      %swap3A_100 = vector.shape_cast %swap3A_99 : vector<1x16xi32> to vector<16xi32>
      %swap3A_101 = vector.shape_cast %select_n3A_96 : vector<16xi32> to vector<1x16xi32>
      tpu.vector_store %arg7[%swap3A_97, %swap3A_98], %swap3A_101 {strides = array<i32>} : memref<160x128xi32, #tpu.memory_space<vmem>>, vector<1x16xi32>,
      %get3A_102 = arith.index_cast %scan3A_59 : i32 to index
      %get3A_103 = arith.constant 32 : index
      %get3A_104 = tpu.vector_load %arg7[%get3A_102, %get3A_103] {strides = array<i32>} : memref<160x128xi32, #tpu.memory_space<vmem>>, vector<1x16xi32>,
      %get3A_105 = vector.shape_cast %get3A_104 : vector<1x16xi32> to vector<16xi32>
      %get3A_106 = arith.constant 32 : index
      %get3A_107 = tpu.vector_load %arg8[%get3A_106] {strides = array<i32>} : memref<128xi32, #tpu.memory_space<vmem>>, vector<16xi32>,
      %get3A_108 = vector.shape_cast %get3A_107 : vector<16xi32> to vector<16xi32>
      %min3A_109 = arith.minsi %get3A_105, %get3A_108 : vector<16xi32>
      %sub3A_110 = vector.broadcast %mul3A_13 : i32 to vector<16xi32>
      %sub3A_111 = arith.subi %min3A_109, %sub3A_110 : vector<16xi32>
      %ge3A_112 = arith.constant 0 : i32
      %ge3A_113 = vector.broadcast %ge3A_112 : i32 to vector<16xi32>
      %ge3A_114 = arith.cmpi sge, %sub3A_111, %ge3A_113 : vector<16xi32>
      %lt3A_115 = arith.constant 5120 : i32
      %lt3A_116 = vector.broadcast %lt3A_115 : i32 to vector<16xi32>
      %lt3A_117 = arith.cmpi slt, %sub3A_111, %lt3A_116 : vector<16xi32>
      %and3A_118 = arith.andi %ge3A_114, %lt3A_117 : vector<16xi1>
      %jit3A_119 = arith.constant 5120 : i32
      %broadcast_in_dim3A_120 = vector.broadcast %jit3A_119 : i32 to vector<16xi32>
      %select_n3A_121 = arith.select %and3A_118, %sub3A_111, %broadcast_in_dim3A_120 : vector<16xi1>, vector<16xi32>
      %swap3A_122 = arith.index_cast %scan3A_59 : i32 to index
      %swap3A_123 = arith.constant 32 : index
      %swap3A_124 = tpu.vector_load %arg7[%swap3A_122, %swap3A_123] {strides = array<i32>} : memref<160x128xi32, #tpu.memory_space<vmem>>, vector<1x16xi32>,
      %swap3A_125 = vector.shape_cast %swap3A_124 : vector<1x16xi32> to vector<16xi32>
      %swap3A_126 = vector.shape_cast %select_n3A_121 : vector<16xi32> to vector<1x16xi32>
      tpu.vector_store %arg7[%swap3A_122, %swap3A_123], %swap3A_126 {strides = array<i32>} : memref<160x128xi32, #tpu.memory_space<vmem>>, vector<1x16xi32>,
      %get3A_127 = arith.index_cast %scan3A_59 : i32 to index
      %get3A_128 = arith.constant 48 : index
      %get3A_129 = tpu.vector_load %arg7[%get3A_127, %get3A_128] {strides = array<i32>} : memref<160x128xi32, #tpu.memory_space<vmem>>, vector<1x16xi32>,
      %get3A_130 = vector.shape_cast %get3A_129 : vector<1x16xi32> to vector<16xi32>
      %get3A_131 = arith.constant 48 : index
      %get3A_132 = tpu.vector_load %arg8[%get3A_131] {strides = array<i32>} : memref<128xi32, #tpu.memory_space<vmem>>, vector<16xi32>,
      %get3A_133 = vector.shape_cast %get3A_132 : vector<16xi32> to vector<16xi32>
      %min3A_134 = arith.minsi %get3A_130, %get3A_133 : vector<16xi32>
      %sub3A_135 = vector.broadcast %mul3A_13 : i32 to vector<16xi32>
      %sub3A_136 = arith.subi %min3A_134, %sub3A_135 : vector<16xi32>
      %ge3A_137 = arith.constant 0 : i32
      %ge3A_138 = vector.broadcast %ge3A_137 : i32 to vector<16xi32>
      %ge3A_139 = arith.cmpi sge, %sub3A_136, %ge3A_138 : vector<16xi32>
      %lt3A_140 = arith.constant 5120 : i32
      %lt3A_141 = vector.broadcast %lt3A_140 : i32 to vector<16xi32>
      %lt3A_142 = arith.cmpi slt, %sub3A_136, %lt3A_141 : vector<16xi32>
      %and3A_143 = arith.andi %ge3A_139, %lt3A_142 : vector<16xi1>
      %jit3A_144 = arith.constant 5120 : i32
      %broadcast_in_dim3A_145 = vector.broadcast %jit3A_144 : i32 to vector<16xi32>
      %select_n3A_146 = arith.select %and3A_143, %sub3A_136, %broadcast_in_dim3A_145 : vector<16xi1>, vector<16xi32>
      %swap3A_147 = arith.index_cast %scan3A_59 : i32 to index
      %swap3A_148 = arith.constant 48 : index
      %swap3A_149 = tpu.vector_load %arg7[%swap3A_147, %swap3A_148] {strides = array<i32>} : memref<160x128xi32, #tpu.memory_space<vmem>>, vector<1x16xi32>,
      %swap3A_150 = vector.shape_cast %swap3A_149 : vector<1x16xi32> to vector<16xi32>
      %swap3A_151 = vector.shape_cast %select_n3A_146 : vector<16xi32> to vector<1x16xi32>
      tpu.vector_store %arg7[%swap3A_147, %swap3A_148], %swap3A_151 {strides = array<i32>} : memref<160x128xi32, #tpu.memory_space<vmem>>, vector<1x16xi32>,
      %get3A_152 = arith.index_cast %scan3A_59 : i32 to index
      %get3A_153 = arith.constant 64 : index
      %get3A_154 = tpu.vector_load %arg7[%get3A_152, %get3A_153] {strides = array<i32>} : memref<160x128xi32, #tpu.memory_space<vmem>>, vector<1x16xi32>,
      %get3A_155 = vector.shape_cast %get3A_154 : vector<1x16xi32> to vector<16xi32>
      %get3A_156 = arith.constant 64 : index
      %get3A_157 = tpu.vector_load %arg8[%get3A_156] {strides = array<i32>} : memref<128xi32, #tpu.memory_space<vmem>>, vector<16xi32>,
      %get3A_158 = vector.shape_cast %get3A_157 : vector<16xi32> to vector<16xi32>
      %min3A_159 = arith.minsi %get3A_155, %get3A_158 : vector<16xi32>
      %sub3A_160 = vector.broadcast %mul3A_13 : i32 to vector<16xi32>
      %sub3A_161 = arith.subi %min3A_159, %sub3A_160 : vector<16xi32>
      %ge3A_162 = arith.constant 0 : i32
      %ge3A_163 = vector.broadcast %ge3A_162 : i32 to vector<16xi32>
      %ge3A_164 = arith.cmpi sge, %sub3A_161, %ge3A_163 : vector<16xi32>
      %lt3A_165 = arith.constant 5120 : i32
      %lt3A_166 = vector.broadcast %lt3A_165 : i32 to vector<16xi32>
      %lt3A_167 = arith.cmpi slt, %sub3A_161, %lt3A_166 : vector<16xi32>
      %and3A_168 = arith.andi %ge3A_164, %lt3A_167 : vector<16xi1>
      %jit3A_169 = arith.constant 5120 : i32
      %broadcast_in_dim3A_170 = vector.broadcast %jit3A_169 : i32 to vector<16xi32>
      %select_n3A_171 = arith.select %and3A_168, %sub3A_161, %broadcast_in_dim3A_170 : vector<16xi1>, vector<16xi32>
      %swap3A_172 = arith.index_cast %scan3A_59 : i32 to index
      %swap3A_173 = arith.constant 64 : index
      %swap3A_174 = tpu.vector_load %arg7[%swap3A_172, %swap3A_173] {strides = array<i32>} : memref<160x128xi32, #tpu.memory_space<vmem>>, vector<1x16xi32>,
      %swap3A_175 = vector.shape_cast %swap3A_174 : vector<1x16xi32> to vector<16xi32>
      %swap3A_176 = vector.shape_cast %select_n3A_171 : vector<16xi32> to vector<1x16xi32>
      tpu.vector_store %arg7[%swap3A_172, %swap3A_173], %swap3A_176 {strides = array<i32>} : memref<160x128xi32, #tpu.memory_space<vmem>>, vector<1x16xi32>,
      %get3A_177 = arith.index_cast %scan3A_59 : i32 to index
      %get3A_178 = arith.constant 80 : index
      %get3A_179 = tpu.vector_load %arg7[%get3A_177, %get3A_178] {strides = array<i32>} : memref<160x128xi32, #tpu.memory_space<vmem>>, vector<1x16xi32>,
      %get3A_180 = vector.shape_cast %get3A_179 : vector<1x16xi32> to vector<16xi32>
      %get3A_181 = arith.constant 80 : index
      %get3A_182 = tpu.vector_load %arg8[%get3A_181] {strides = array<i32>} : memref<128xi32, #tpu.memory_space<vmem>>, vector<16xi32>,
      %get3A_183 = vector.shape_cast %get3A_182 : vector<16xi32> to vector<16xi32>
      %min3A_184 = arith.minsi %get3A_180, %get3A_183 : vector<16xi32>
      %sub3A_185 = vector.broadcast %mul3A_13 : i32 to vector<16xi32>
      %sub3A_186 = arith.subi %min3A_184, %sub3A_185 : vector<16xi32>
      %ge3A_187 = arith.constant 0 : i32
      %ge3A_188 = vector.broadcast %ge3A_187 : i32 to vector<16xi32>
      %ge3A_189 = arith.cmpi sge, %sub3A_186, %ge3A_188 : vector<16xi32>
      %lt3A_190 = arith.constant 5120 : i32
      %lt3A_191 = vector.broadcast %lt3A_190 : i32 to vector<16xi32>
      %lt3A_192 = arith.cmpi slt, %sub3A_186, %lt3A_191 : vector<16xi32>
      %and3A_193 = arith.andi %ge3A_189, %lt3A_192 : vector<16xi1>
      %jit3A_194 = arith.constant 5120 : i32
      %broadcast_in_dim3A_195 = vector.broadcast %jit3A_194 : i32 to vector<16xi32>
      %select_n3A_196 = arith.select %and3A_193, %sub3A_186, %broadcast_in_dim3A_195 : vector<16xi1>, vector<16xi32>
      %swap3A_197 = arith.index_cast %scan3A_59 : i32 to index
      %swap3A_198 = arith.constant 80 : index
      %swap3A_199 = tpu.vector_load %arg7[%swap3A_197, %swap3A_198] {strides = array<i32>} : memref<160x128xi32, #tpu.memory_space<vmem>>, vector<1x16xi32>,
      %swap3A_200 = vector.shape_cast %swap3A_199 : vector<1x16xi32> to vector<16xi32>
      %swap3A_201 = vector.shape_cast %select_n3A_196 : vector<16xi32> to vector<1x16xi32>
      tpu.vector_store %arg7[%swap3A_197, %swap3A_198], %swap3A_201 {strides = array<i32>} : memref<160x128xi32, #tpu.memory_space<vmem>>, vector<1x16xi32>,
      %get3A_202 = arith.index_cast %scan3A_59 : i32 to index
      %get3A_203 = arith.constant 96 : index
      %get3A_204 = tpu.vector_load %arg7[%get3A_202, %get3A_203] {strides = array<i32>} : memref<160x128xi32, #tpu.memory_space<vmem>>, vector<1x16xi32>,
      %get3A_205 = vector.shape_cast %get3A_204 : vector<1x16xi32> to vector<16xi32>
      %get3A_206 = arith.constant 96 : index
      %get3A_207 = tpu.vector_load %arg8[%get3A_206] {strides = array<i32>} : memref<128xi32, #tpu.memory_space<vmem>>, vector<16xi32>,
      %get3A_208 = vector.shape_cast %get3A_207 : vector<16xi32> to vector<16xi32>
      %min3A_209 = arith.minsi %get3A_205, %get3A_208 : vector<16xi32>
      %sub3A_210 = vector.broadcast %mul3A_13 : i32 to vector<16xi32>
      %sub3A_211 = arith.subi %min3A_209, %sub3A_210 : vector<16xi32>
      %ge3A_212 = arith.constant 0 : i32
      %ge3A_213 = vector.broadcast %ge3A_212 : i32 to vector<16xi32>
      %ge3A_214 = arith.cmpi sge, %sub3A_211, %ge3A_213 : vector<16xi32>
      %lt3A_215 = arith.constant 5120 : i32
      %lt3A_216 = vector.broadcast %lt3A_215 : i32 to vector<16xi32>
      %lt3A_217 = arith.cmpi slt, %sub3A_211, %lt3A_216 : vector<16xi32>
      %and3A_218 = arith.andi %ge3A_214, %lt3A_217 : vector<16xi1>
      %jit3A_219 = arith.constant 5120 : i32
      %broadcast_in_dim3A_220 = vector.broadcast %jit3A_219 : i32 to vector<16xi32>
      %select_n3A_221 = arith.select %and3A_218, %sub3A_211, %broadcast_in_dim3A_220 : vector<16xi1>, vector<16xi32>
      %swap3A_222 = arith.index_cast %scan3A_59 : i32 to index
      %swap3A_223 = arith.constant 96 : index
      %swap3A_224 = tpu.vector_load %arg7[%swap3A_222, %swap3A_223] {strides = array<i32>} : memref<160x128xi32, #tpu.memory_space<vmem>>, vector<1x16xi32>,
      %swap3A_225 = vector.shape_cast %swap3A_224 : vector<1x16xi32> to vector<16xi32>
      %swap3A_226 = vector.shape_cast %select_n3A_221 : vector<16xi32> to vector<1x16xi32>
      tpu.vector_store %arg7[%swap3A_222, %swap3A_223], %swap3A_226 {strides = array<i32>} : memref<160x128xi32, #tpu.memory_space<vmem>>, vector<1x16xi32>,
      %get3A_227 = arith.index_cast %scan3A_59 : i32 to index
      %get3A_228 = arith.constant 112 : index
      %get3A_229 = tpu.vector_load %arg7[%get3A_227, %get3A_228] {strides = array<i32>} : memref<160x128xi32, #tpu.memory_space<vmem>>, vector<1x16xi32>,
      %get3A_230 = vector.shape_cast %get3A_229 : vector<1x16xi32> to vector<16xi32>
      %get3A_231 = arith.constant 112 : index
      %get3A_232 = tpu.vector_load %arg8[%get3A_231] {strides = array<i32>} : memref<128xi32, #tpu.memory_space<vmem>>, vector<16xi32>,
      %get3A_233 = vector.shape_cast %get3A_232 : vector<16xi32> to vector<16xi32>
      %min3A_234 = arith.minsi %get3A_230, %get3A_233 : vector<16xi32>
      %sub3A_235 = vector.broadcast %mul3A_13 : i32 to vector<16xi32>
      %sub3A_236 = arith.subi %min3A_234, %sub3A_235 : vector<16xi32>
      %ge3A_237 = arith.constant 0 : i32
      %ge3A_238 = vector.broadcast %ge3A_237 : i32 to vector<16xi32>
      %ge3A_239 = arith.cmpi sge, %sub3A_236, %ge3A_238 : vector<16xi32>
      %lt3A_240 = arith.constant 5120 : i32
      %lt3A_241 = vector.broadcast %lt3A_240 : i32 to vector<16xi32>
      %lt3A_242 = arith.cmpi slt, %sub3A_236, %lt3A_241 : vector<16xi32>
      %and3A_243 = arith.andi %ge3A_239, %lt3A_242 : vector<16xi1>
      %jit3A_244 = arith.constant 5120 : i32
      %broadcast_in_dim3A_245 = vector.broadcast %jit3A_244 : i32 to vector<16xi32>
      %select_n3A_246 = arith.select %and3A_243, %sub3A_236, %broadcast_in_dim3A_245 : vector<16xi1>, vector<16xi32>
      %swap3A_247 = arith.index_cast %scan3A_59 : i32 to index
      %swap3A_248 = arith.constant 112 : index
      %swap3A_249 = tpu.vector_load %arg7[%swap3A_247, %swap3A_248] {strides = array<i32>} : memref<160x128xi32, #tpu.memory_space<vmem>>, vector<1x16xi32>,
      %swap3A_250 = vector.shape_cast %swap3A_249 : vector<1x16xi32> to vector<16xi32>
      %swap3A_251 = vector.shape_cast %select_n3A_246 : vector<16xi32> to vector<1x16xi32>
      tpu.vector_store %arg7[%swap3A_247, %swap3A_248], %swap3A_251 {strides = array<i32>} : memref<160x128xi32, #tpu.memory_space<vmem>>, vector<1x16xi32>,
    }
    %scan3A_19 = arith.constant 160 : i32
    %dma_start3A = arith.constant 0 : i32
    %dma_start3A_20 = arith.constant 0 : i32
    %dma_start3A_21 = tpu.memref_slice %arg6[%dma_start3A, %dma_start3A_20] : memref<160x128xi32, #tpu.memory_space<vmem>> -> memref<1x128xi32, #tpu.memory_space<vmem>>
    %dma_start3A_22 = tpu.memref_squeeze %dma_start3A_21 : memref<1x128xi32, #tpu.memory_space<vmem>> -> memref<128xi32, #tpu.memory_space<vmem>>
    %dma_start3A_23 = arith.constant 0 : i32
    %dma_start3A_24 = arith.constant 0 : i32
    %dma_start3A_25 = tpu.memref_slice %arg4[%dma_start3A_23, %dma_start3A_24] : memref<10240x128xf32, #tpu.memory_space<hbm>> -> memref<10240x128xf32, #tpu.memory_space<hbm>>
    tpu.enqueue_indirect_dma source(%dma_start3A_25 : memref<10240x128xf32, #tpu.memory_space<hbm>>) target(%arg9 : memref<128x128xf32, #tpu.memory_space<vmem>>) offsets(%dma_start3A_22 : memref<128xi32, #tpu.memory_space<vmem>>) semaphore(%arg13 : memref<!tpu.dma_semaphore, #tpu.memory_space<semaphore_mem>>)
    %dma_start3A_26 = arith.constant 1 : i32
    %dma_start3A_27 = arith.constant 0 : i32
    %dma_start3A_28 = tpu.memref_slice %arg6[%dma_start3A_26, %dma_start3A_27] : memref<160x128xi32, #tpu.memory_space<vmem>> -> memref<1x128xi32, #tpu.memory_space<vmem>>
    %dma_start3A_29 = tpu.memref_squeeze %dma_start3A_28 : memref<1x128xi32, #tpu.memory_space<vmem>> -> memref<128xi32, #tpu.memory_space<vmem>>
    %dma_start3A_30 = arith.constant 0 : i32
    %dma_start3A_31 = arith.constant 0 : i32
    %dma_start3A_32 = tpu.memref_slice %arg4[%dma_start3A_30, %dma_start3A_31] : memref<10240x128xf32, #tpu.memory_space<hbm>> -> memref<10240x128xf32, #tpu.memory_space<hbm>>
    tpu.enqueue_indirect_dma source(%dma_start3A_32 : memref<10240x128xf32, #tpu.memory_space<hbm>>) target(%arg10 : memref<128x128xf32, #tpu.memory_space<vmem>>) offsets(%dma_start3A_29 : memref<128xi32, #tpu.memory_space<vmem>>) semaphore(%arg14 : memref<!tpu.dma_semaphore, #tpu.memory_space<semaphore_mem>>)
    %scan3A_33 = arith.constant 0 : i32
    %scan3A_34 = arith.constant 0 : i32
    %scan3A_35 = arith.constant 79 : i32
    %scan3A_36 = arith.addi %scan3A_34, %scan3A_35 : i32
    %scan3A_37 = arith.constant 1 : i32
    scf.for %scan3A_59 = %scan3A_34 to %scan3A_36 step %scan3A_37  : i32 {
      %mul3A_60 = arith.constant 2 : i32
      %mul3A_61 = arith.muli %scan3A_59, %mul3A_60 : i32
      %add3A_62 = arith.constant 0 : i32
      %add3A_63 = arith.addi %mul3A_61, %add3A_62 : i32
      %dma_wait3A_64 = arith.constant 0 : i32
      %dma_wait3A_65 = arith.constant 0 : i32
      %dma_wait3A_66 = tpu.memref_slice %arg6[%dma_wait3A_64, %dma_wait3A_65] : memref<160x128xi32, #tpu.memory_space<vmem>> -> memref<1x128xi32, #tpu.memory_space<vmem>>
      %dma_wait3A_67 = tpu.memref_squeeze %dma_wait3A_66 : memref<1x128xi32, #tpu.memory_space<vmem>> -> memref<128xi32, #tpu.memory_space<vmem>>
      %dma_wait3A_68 = arith.constant 0 : i32
      %dma_wait3A_69 = arith.constant 0 : i32
      %dma_wait3A_70 = tpu.memref_slice %arg4[%dma_wait3A_68, %dma_wait3A_69] : memref<10240x128xf32, #tpu.memory_space<hbm>> -> memref<10240x128xf32, #tpu.memory_space<hbm>>
      tpu.wait_indirect_dma semaphore(%arg13 : memref<!tpu.dma_semaphore, #tpu.memory_space<semaphore_mem>>) src(%dma_wait3A_70 : memref<10240x128xf32, #tpu.memory_space<hbm>>) dst(%arg9 : memref<128x128xf32, #tpu.memory_space<vmem>>)
      %dma_start3A_71 = arith.constant 0 : i32
      %dma_start3A_72 = tpu.memref_slice %arg7[%add3A_63, %dma_start3A_71] : memref<160x128xi32, #tpu.memory_space<vmem>> -> memref<1x128xi32, #tpu.memory_space<vmem>>
      %dma_start3A_73 = tpu.memref_squeeze %dma_start3A_72 : memref<1x128xi32, #tpu.memory_space<vmem>> -> memref<128xi32, #tpu.memory_space<vmem>>
      %dma_start3A_74 = arith.constant 0 : i32
      %dma_start3A_75 = arith.constant 0 : i32
      %dma_start3A_76 = tpu.memref_slice %arg12[%dma_start3A_74, %dma_start3A_75] : memref<5248x128xf32, #tpu.memory_space<vmem_shared>> -> memref<5248x128xf32, #tpu.memory_space<vmem_shared>>
      tpu.enqueue_indirect_dma source(%arg9 : memref<128x128xf32, #tpu.memory_space<vmem>>) target(%dma_start3A_76 : memref<5248x128xf32, #tpu.memory_space<vmem_shared>>) offsets(%dma_start3A_73 : memref<128xi32, #tpu.memory_space<vmem>>) semaphore(%arg15 : memref<!tpu.dma_semaphore, #tpu.memory_space<semaphore_mem>>) {add = true}
      %dma_wait3A_77 = arith.constant 0 : i32
      %dma_wait3A_78 = arith.constant 0 : i32
      %dma_wait3A_79 = tpu.memref_slice %arg7[%dma_wait3A_77, %dma_wait3A_78] : memref<160x128xi32, #tpu.memory_space<vmem>> -> memref<1x128xi32, #tpu.memory_space<vmem>>
      %dma_wait3A_80 = tpu.memref_squeeze %dma_wait3A_79 : memref<1x128xi32, #tpu.memory_space<vmem>> -> memref<128xi32, #tpu.memory_space<vmem>>
      %dma_wait3A_81 = arith.constant 0 : i32
      %dma_wait3A_82 = arith.constant 0 : i32
      %dma_wait3A_83 = tpu.memref_slice %arg12[%dma_wait3A_81, %dma_wait3A_82] : memref<5248x128xf32, #tpu.memory_space<vmem_shared>> -> memref<5248x128xf32, #tpu.memory_space<vmem_shared>>
      tpu.wait_indirect_dma semaphore(%arg15 : memref<!tpu.dma_semaphore, #tpu.memory_space<semaphore_mem>>) src(%arg9 : memref<128x128xf32, #tpu.memory_space<vmem>>) dst(%dma_wait3A_83 : memref<5248x128xf32, #tpu.memory_space<vmem_shared>>)
      %add3A_84 = arith.constant 2 : i32
      %add3A_85 = arith.addi %add3A_63, %add3A_84 : i32
      %dma_start3A_86 = arith.constant 0 : i32
      %dma_start3A_87 = tpu.memref_slice %arg6[%add3A_85, %dma_start3A_86] : memref<160x128xi32, #tpu.memory_space<vmem>> -> memref<1x128xi32, #tpu.memory_space<vmem>>
      %dma_start3A_88 = tpu.memref_squeeze %dma_start3A_87 : memref<1x128xi32, #tpu.memory_space<vmem>> -> memref<128xi32, #tpu.memory_space<vmem>>
      %dma_start3A_89 = arith.constant 0 : i32
      %dma_start3A_90 = arith.constant 0 : i32
      %dma_start3A_91 = tpu.memref_slice %arg4[%dma_start3A_89, %dma_start3A_90] : memref<10240x128xf32, #tpu.memory_space<hbm>> -> memref<10240x128xf32, #tpu.memory_space<hbm>>
      tpu.enqueue_indirect_dma source(%dma_start3A_91 : memref<10240x128xf32, #tpu.memory_space<hbm>>) target(%arg9 : memref<128x128xf32, #tpu.memory_space<vmem>>) offsets(%dma_start3A_88 : memref<128xi32, #tpu.memory_space<vmem>>) semaphore(%arg13 : memref<!tpu.dma_semaphore, #tpu.memory_space<semaphore_mem>>)
      %add3A_92 = arith.constant 1 : i32
      %add3A_93 = arith.addi %mul3A_61, %add3A_92 : i32
      %dma_wait3A_94 = arith.constant 0 : i32
      %dma_wait3A_95 = arith.constant 0 : i32
      %dma_wait3A_96 = tpu.memref_slice %arg6[%dma_wait3A_94, %dma_wait3A_95] : memref<160x128xi32, #tpu.memory_space<vmem>> -> memref<1x128xi32, #tpu.memory_space<vmem>>
      %dma_wait3A_97 = tpu.memref_squeeze %dma_wait3A_96 : memref<1x128xi32, #tpu.memory_space<vmem>> -> memref<128xi32, #tpu.memory_space<vmem>>
      %dma_wait3A_98 = arith.constant 0 : i32
      %dma_wait3A_99 = arith.constant 0 : i32
      %dma_wait3A_100 = tpu.memref_slice %arg4[%dma_wait3A_98, %dma_wait3A_99] : memref<10240x128xf32, #tpu.memory_space<hbm>> -> memref<10240x128xf32, #tpu.memory_space<hbm>>
      tpu.wait_indirect_dma semaphore(%arg14 : memref<!tpu.dma_semaphore, #tpu.memory_space<semaphore_mem>>) src(%dma_wait3A_100 : memref<10240x128xf32, #tpu.memory_space<hbm>>) dst(%arg10 : memref<128x128xf32, #tpu.memory_space<vmem>>)
      %dma_start3A_101 = arith.constant 0 : i32
      %dma_start3A_102 = tpu.memref_slice %arg7[%add3A_93, %dma_start3A_101] : memref<160x128xi32, #tpu.memory_space<vmem>> -> memref<1x128xi32, #tpu.memory_space<vmem>>
      %dma_start3A_103 = tpu.memref_squeeze %dma_start3A_102 : memref<1x128xi32, #tpu.memory_space<vmem>> -> memref<128xi32, #tpu.memory_space<vmem>>
      %dma_start3A_104 = arith.constant 0 : i32
      %dma_start3A_105 = arith.constant 0 : i32
      %dma_start3A_106 = tpu.memref_slice %arg12[%dma_start3A_104, %dma_start3A_105] : memref<5248x128xf32, #tpu.memory_space<vmem_shared>> -> memref<5248x128xf32, #tpu.memory_space<vmem_shared>>
      tpu.enqueue_indirect_dma source(%arg10 : memref<128x128xf32, #tpu.memory_space<vmem>>) target(%dma_start3A_106 : memref<5248x128xf32, #tpu.memory_space<vmem_shared>>) offsets(%dma_start3A_103 : memref<128xi32, #tpu.memory_space<vmem>>) semaphore(%arg16 : memref<!tpu.dma_semaphore, #tpu.memory_space<semaphore_mem>>) {add = true}
      %dma_wait3A_107 = arith.constant 0 : i32
      %dma_wait3A_108 = arith.constant 0 : i32
      %dma_wait3A_109 = tpu.memref_slice %arg7[%dma_wait3A_107, %dma_wait3A_108] : memref<160x128xi32, #tpu.memory_space<vmem>> -> memref<1x128xi32, #tpu.memory_space<vmem>>
      %dma_wait3A_110 = tpu.memref_squeeze %dma_wait3A_109 : memref<1x128xi32, #tpu.memory_space<vmem>> -> memref<128xi32, #tpu.memory_space<vmem>>
      %dma_wait3A_111 = arith.constant 0 : i32
      %dma_wait3A_112 = arith.constant 0 : i32
      %dma_wait3A_113 = tpu.memref_slice %arg12[%dma_wait3A_111, %dma_wait3A_112] : memref<5248x128xf32, #tpu.memory_space<vmem_shared>> -> memref<5248x128xf32, #tpu.memory_space<vmem_shared>>
      tpu.wait_indirect_dma semaphore(%arg16 : memref<!tpu.dma_semaphore, #tpu.memory_space<semaphore_mem>>) src(%arg10 : memref<128x128xf32, #tpu.memory_space<vmem>>) dst(%dma_wait3A_113 : memref<5248x128xf32, #tpu.memory_space<vmem_shared>>)
      %add3A_114 = arith.constant 2 : i32
      %add3A_115 = arith.addi %add3A_93, %add3A_114 : i32
      %dma_start3A_116 = arith.constant 0 : i32
      %dma_start3A_117 = tpu.memref_slice %arg6[%add3A_115, %dma_start3A_116] : memref<160x128xi32, #tpu.memory_space<vmem>> -> memref<1x128xi32, #tpu.memory_space<vmem>>
      %dma_start3A_118 = tpu.memref_squeeze %dma_start3A_117 : memref<1x128xi32, #tpu.memory_space<vmem>> -> memref<128xi32, #tpu.memory_space<vmem>>
      %dma_start3A_119 = arith.constant 0 : i32
      %dma_start3A_120 = arith.constant 0 : i32
      %dma_start3A_121 = tpu.memref_slice %arg4[%dma_start3A_119, %dma_start3A_120] : memref<10240x128xf32, #tpu.memory_space<hbm>> -> memref<10240x128xf32, #tpu.memory_space<hbm>>
      tpu.enqueue_indirect_dma source(%dma_start3A_121 : memref<10240x128xf32, #tpu.memory_space<hbm>>) target(%arg10 : memref<128x128xf32, #tpu.memory_space<vmem>>) offsets(%dma_start3A_118 : memref<128xi32, #tpu.memory_space<vmem>>) semaphore(%arg14 : memref<!tpu.dma_semaphore, #tpu.memory_space<semaphore_mem>>)
    }
    %scan3A_38 = arith.constant 79 : i32
    %dma_wait3A = arith.constant 0 : i32
    %dma_wait3A_39 = arith.constant 0 : i32
    %dma_wait3A_40 = tpu.memref_slice %arg6[%dma_wait3A, %dma_wait3A_39] : memref<160x128xi32, #tpu.memory_space<vmem>> -> memref<1x128xi32, #tpu.memory_space<vmem>>
    %dma_wait3A_41 = tpu.memref_squeeze %dma_wait3A_40 : memref<1x128xi32, #tpu.memory_space<vmem>> -> memref<128xi32, #tpu.memory_space<vmem>>
    %dma_wait3A_42 = arith.constant 0 : i32
    %dma_wait3A_43 = arith.constant 0 : i32
    %dma_wait3A_44 = tpu.memref_slice %arg4[%dma_wait3A_42, %dma_wait3A_43] : memref<10240x128xf32, #tpu.memory_space<hbm>> -> memref<10240x128xf32, #tpu.memory_space<hbm>>
    tpu.wait_indirect_dma semaphore(%arg13 : memref<!tpu.dma_semaphore, #tpu.memory_space<semaphore_mem>>) src(%dma_wait3A_44 : memref<10240x128xf32, #tpu.memory_space<hbm>>) dst(%arg9 : memref<128x128xf32, #tpu.memory_space<vmem>>)
    %run_scoped3A_45 = arith.constant 158 : i32
    "tpu.region"() ({
      %run_scoped3A_59 = tpu.sem_alloc : memref<!tpu.dma_semaphore, #tpu.memory_space<semaphore_mem>>
      %dma_start3A_60 = arith.constant 0 : i32
      %dma_start3A_61 = tpu.memref_slice %arg7[%run_scoped3A_45, %dma_start3A_60] : memref<160x128xi32, #tpu.memory_space<vmem>> -> memref<1x128xi32, #tpu.memory_space<vmem>>
      %dma_start3A_62 = tpu.memref_squeeze %dma_start3A_61 : memref<1x128xi32, #tpu.memory_space<vmem>> -> memref<128xi32, #tpu.memory_space<vmem>>
      %dma_start3A_63 = arith.constant 0 : i32
      %dma_start3A_64 = arith.constant 0 : i32
      %dma_start3A_65 = tpu.memref_slice %arg12[%dma_start3A_63, %dma_start3A_64] : memref<5248x128xf32, #tpu.memory_space<vmem_shared>> -> memref<5248x128xf32, #tpu.memory_space<vmem_shared>>
      tpu.enqueue_indirect_dma source(%arg9 : memref<128x128xf32, #tpu.memory_space<vmem>>) target(%dma_start3A_65 : memref<5248x128xf32, #tpu.memory_space<vmem_shared>>) offsets(%dma_start3A_62 : memref<128xi32, #tpu.memory_space<vmem>>) semaphore(%run_scoped3A_59 : memref<!tpu.dma_semaphore, #tpu.memory_space<semaphore_mem>>) {add = true}
      %dma_wait3A_66 = arith.constant 0 : i32
      %dma_wait3A_67 = tpu.memref_slice %arg7[%run_scoped3A_45, %dma_wait3A_66] : memref<160x128xi32, #tpu.memory_space<vmem>> -> memref<1x128xi32, #tpu.memory_space<vmem>>
      %dma_wait3A_68 = tpu.memref_squeeze %dma_wait3A_67 : memref<1x128xi32, #tpu.memory_space<vmem>> -> memref<128xi32, #tpu.memory_space<vmem>>
      %dma_wait3A_69 = arith.constant 0 : i32
      %dma_wait3A_70 = arith.constant 0 : i32
      %dma_wait3A_71 = tpu.memref_slice %arg12[%dma_wait3A_69, %dma_wait3A_70] : memref<5248x128xf32, #tpu.memory_space<vmem_shared>> -> memref<5248x128xf32, #tpu.memory_space<vmem_shared>>
      tpu.wait_indirect_dma semaphore(%run_scoped3A_59 : memref<!tpu.dma_semaphore, #tpu.memory_space<semaphore_mem>>) src(%arg9 : memref<128x128xf32, #tpu.memory_space<vmem>>) dst(%dma_wait3A_71 : memref<5248x128xf32, #tpu.memory_space<vmem_shared>>)
      tpu.yield
    }) : () -> ()
    %dma_wait3A_46 = arith.constant 0 : i32
    %dma_wait3A_47 = arith.constant 0 : i32
    %dma_wait3A_48 = tpu.memref_slice %arg6[%dma_wait3A_46, %dma_wait3A_47] : memref<160x128xi32, #tpu.memory_space<vmem>> -> memref<1x128xi32, #tpu.memory_space<vmem>>
    %dma_wait3A_49 = tpu.memref_squeeze %dma_wait3A_48 : memref<1x128xi32, #tpu.memory_space<vmem>> -> memref<128xi32, #tpu.memory_space<vmem>>
    %dma_wait3A_50 = arith.constant 0 : i32
    %dma_wait3A_51 = arith.constant 0 : i32
    %dma_wait3A_52 = tpu.memref_slice %arg4[%dma_wait3A_50, %dma_wait3A_51] : memref<10240x128xf32, #tpu.memory_space<hbm>> -> memref<10240x128xf32, #tpu.memory_space<hbm>>
    tpu.wait_indirect_dma semaphore(%arg14 : memref<!tpu.dma_semaphore, #tpu.memory_space<semaphore_mem>>) src(%dma_wait3A_52 : memref<10240x128xf32, #tpu.memory_space<hbm>>) dst(%arg10 : memref<128x128xf32, #tpu.memory_space<vmem>>)
    %run_scoped3A_53 = arith.constant 159 : i32
    "tpu.region"() ({
      %run_scoped3A_59 = tpu.sem_alloc : memref<!tpu.dma_semaphore, #tpu.memory_space<semaphore_mem>>
      %dma_start3A_60 = arith.constant 0 : i32
      %dma_start3A_61 = tpu.memref_slice %arg7[%run_scoped3A_53, %dma_start3A_60] : memref<160x128xi32, #tpu.memory_space<vmem>> -> memref<1x128xi32, #tpu.memory_space<vmem>>
      %dma_start3A_62 = tpu.memref_squeeze %dma_start3A_61 : memref<1x128xi32, #tpu.memory_space<vmem>> -> memref<128xi32, #tpu.memory_space<vmem>>
      %dma_start3A_63 = arith.constant 0 : i32
      %dma_start3A_64 = arith.constant 0 : i32
      %dma_start3A_65 = tpu.memref_slice %arg12[%dma_start3A_63, %dma_start3A_64] : memref<5248x128xf32, #tpu.memory_space<vmem_shared>> -> memref<5248x128xf32, #tpu.memory_space<vmem_shared>>
      tpu.enqueue_indirect_dma source(%arg10 : memref<128x128xf32, #tpu.memory_space<vmem>>) target(%dma_start3A_65 : memref<5248x128xf32, #tpu.memory_space<vmem_shared>>) offsets(%dma_start3A_62 : memref<128xi32, #tpu.memory_space<vmem>>) semaphore(%run_scoped3A_59 : memref<!tpu.dma_semaphore, #tpu.memory_space<semaphore_mem>>) {add = true}
      %dma_wait3A_66 = arith.constant 0 : i32
      %dma_wait3A_67 = tpu.memref_slice %arg7[%run_scoped3A_53, %dma_wait3A_66] : memref<160x128xi32, #tpu.memory_space<vmem>> -> memref<1x128xi32, #tpu.memory_space<vmem>>
      %dma_wait3A_68 = tpu.memref_squeeze %dma_wait3A_67 : memref<1x128xi32, #tpu.memory_space<vmem>> -> memref<128xi32, #tpu.memory_space<vmem>>
      %dma_wait3A_69 = arith.constant 0 : i32
      %dma_wait3A_70 = arith.constant 0 : i32
      %dma_wait3A_71 = tpu.memref_slice %arg12[%dma_wait3A_69, %dma_wait3A_70] : memref<5248x128xf32, #tpu.memory_space<vmem_shared>> -> memref<5248x128xf32, #tpu.memory_space<vmem_shared>>
      tpu.wait_indirect_dma semaphore(%run_scoped3A_59 : memref<!tpu.dma_semaphore, #tpu.memory_space<semaphore_mem>>) src(%arg10 : memref<128x128xf32, #tpu.memory_space<vmem>>) dst(%dma_wait3A_71 : memref<5248x128xf32, #tpu.memory_space<vmem_shared>>)
      tpu.yield
    }) : () -> ()
    %barrier3A_54 = arith.constant 0 : index
    tpu.barrier barrier_id(%barrier3A_54)
    %mul3A_55 = arith.constant 320 : i32
    %mul3A_56 = arith.muli %arg1, %mul3A_55 : i32
    %mul3A_57 = arith.constant 320 : i32
    %mul3A_58 = arith.muli %arg1, %mul3A_57 : i32
    %add3A = arith.addi %mul3A_13, %mul3A_58 : i32
    "tpu.region"() ({
      %run_scoped3A_59 = tpu.sem_alloc : memref<!tpu.dma_semaphore, #tpu.memory_space<semaphore_mem>>
      %dma_start3A_60 = arith.constant 0 : i32
      %dma_start3A_61 = tpu.memref_slice %arg5[%add3A, %dma_start3A_60] : memref<10240x128xf32, #tpu.memory_space<hbm>> -> memref<320x128xf32, #tpu.memory_space<hbm>>
      %dma_start3A_62 = arith.constant 0 : i32
      %dma_start3A_63 = tpu.memref_slice %arg12[%mul3A_56, %dma_start3A_62] : memref<5248x128xf32, #tpu.memory_space<vmem_shared>> -> memref<320x128xf32, #tpu.memory_space<vmem_shared>>
      tpu.enqueue_dma source(%dma_start3A_63 : memref<320x128xf32, #tpu.memory_space<vmem_shared>>) target(%dma_start3A_61 : memref<320x128xf32, #tpu.memory_space<hbm>>) target_semaphore(%run_scoped3A_59 : memref<!tpu.dma_semaphore, #tpu.memory_space<semaphore_mem>>)
      %dma_wait3A_64 = arith.constant 0 : i32
      %dma_wait3A_65 = tpu.memref_slice %arg5[%add3A, %dma_wait3A_64] : memref<10240x128xf32, #tpu.memory_space<hbm>> -> memref<320x128xf32, #tpu.memory_space<hbm>>
      %dma_wait3A_66 = arith.constant 0 : i32
      %dma_wait3A_67 = tpu.memref_slice %arg12[%mul3A_56, %dma_wait3A_66] : memref<5248x128xf32, #tpu.memory_space<vmem_shared>> -> memref<320x128xf32, #tpu.memory_space<vmem_shared>>
      tpu.wait_dma2 semaphore(%run_scoped3A_59 : memref<!tpu.dma_semaphore, #tpu.memory_space<semaphore_mem>>) src(%dma_wait3A_67 : memref<320x128xf32, #tpu.memory_space<vmem_shared>>) dst(%dma_wait3A_65 : memref<320x128xf32, #tpu.memory_space<hbm>>)
      tpu.yield
    }) : () -> ()
    return
  }
}

#map = affine_map<(d0, d1) -> (0)>
module attributes {stable_mosaic.version = 14 : i64} {
  func.func @_kd_body(%arg0: i32, %arg1: i32, %arg2: memref<327680xi32, #tpu.memory_space<hbm>>, %arg3: memref<327680xi32, #tpu.memory_space<hbm>>, %arg4: memref<20480xi32, #tpu.memory_space<hbm>>, %arg5: memref<655360xi32, #tpu.memory_space<hbm>>, %arg6: memref<20480xi32, #tpu.memory_space<vmem>>, %arg7: memref<20480xi32, #tpu.memory_space<vmem>>, %arg8: memref<20480xi32, #tpu.memory_space<vmem>>, %arg9: memref<20480xi32, #tpu.memory_space<vmem>>, %arg10: memref<20480xi32, #tpu.memory_space<vmem>>, %arg11: memref<640xi32, #tpu.memory_space<vmem>>, %arg12: memref<262272xi32, #tpu.memory_space<vmem_shared>>, %arg13: memref<10240xi32, #tpu.memory_space<vmem_shared>>) attributes {dimension_semantics = [#tpu.dimension_semantics<core_parallel>, #tpu.dimension_semantics<subcore_parallel>], iteration_bounds = array<i64: 2, 16>, scalar_prefetch = 0 : i64, scratch_operands = 8 : i64, tpu.core_type = #tpu.core_type<sc_vector_subcore>, window_params = [{transform_indices = #map}, {transform_indices = #map}, {transform_indices = #map}, {transform_indices = #map}]} {
    %iota3A = tpu.iota {dimensions = array<i32: 0>} : vector<16xi32>
    %scan3A = arith.constant 0 : i32
    %scan3A_0 = arith.constant 0 : i32
    %scan3A_1 = arith.constant 40 : i32
    %scan3A_2 = arith.addi %scan3A_0, %scan3A_1 : i32
    %scan3A_3 = arith.constant 1 : i32
    scf.for %scan3A_51 = %scan3A_0 to %scan3A_2 step %scan3A_3  : i32 {
      %broadcast_in_dim3A = arith.constant 0 : i32
      %broadcast_in_dim3A_52 = vector.broadcast %broadcast_in_dim3A : i32 to vector<16xi32>
      %mul3A_53 = arith.constant 16 : i32
      %mul3A_54 = arith.muli %scan3A_51, %mul3A_53 : i32
      %swap3A = arith.index_cast %mul3A_54 : i32 to index
      %swap3A_55 = tpu.vector_load %arg11[%swap3A] {strides = array<i32>} : memref<640xi32, #tpu.memory_space<vmem>>, vector<16xi32>,
      %swap3A_56 = vector.shape_cast %swap3A_55 : vector<16xi32> to vector<16xi32>
      %swap3A_57 = vector.shape_cast %broadcast_in_dim3A_52 : vector<16xi32> to vector<16xi32>
      tpu.vector_store %arg11[%swap3A], %swap3A_57 {strides = array<i32>} : memref<640xi32, #tpu.memory_space<vmem>>, vector<16xi32>,
    }
    %scan3A_4 = arith.constant 40 : i32
    %mul3A = arith.constant 640 : i32
    %mul3A_5 = arith.muli %arg1, %mul3A : i32
    "tpu.region"() ({
      %run_scoped3A = tpu.sem_alloc : memref<!tpu.dma_semaphore, #tpu.memory_space<semaphore_mem>>
      %dma_start3A = tpu.memref_slice %arg13[%mul3A_5] : memref<10240xi32, #tpu.memory_space<vmem_shared>> -> memref<640xi32, #tpu.memory_space<vmem_shared>>
      %dma_start3A_51 = tpu.memref_slice %arg13[%mul3A_5] : memref<10240xi32, #tpu.memory_space<vmem_shared>> -> memref<640xi32, #tpu.memory_space<vmem_shared>>
      tpu.enqueue_dma source(%arg11 : memref<640xi32, #tpu.memory_space<vmem>>) target(%dma_start3A_51 : memref<640xi32, #tpu.memory_space<vmem_shared>>) target_semaphore(%run_scoped3A : memref<!tpu.dma_semaphore, #tpu.memory_space<semaphore_mem>>)
      %dma_wait3A = tpu.memref_slice %arg13[%mul3A_5] : memref<10240xi32, #tpu.memory_space<vmem_shared>> -> memref<640xi32, #tpu.memory_space<vmem_shared>>
      %dma_wait3A_52 = tpu.memref_slice %arg13[%mul3A_5] : memref<10240xi32, #tpu.memory_space<vmem_shared>> -> memref<640xi32, #tpu.memory_space<vmem_shared>>
      tpu.wait_dma2 semaphore(%run_scoped3A : memref<!tpu.dma_semaphore, #tpu.memory_space<semaphore_mem>>) src(%arg11 : memref<640xi32, #tpu.memory_space<vmem>>) dst(%dma_wait3A_52 : memref<640xi32, #tpu.memory_space<vmem_shared>>)
      tpu.yield
    }) : () -> ()
    %mul3A_6 = arith.constant 20480 : i32
    %mul3A_7 = arith.muli %arg1, %mul3A_6 : i32
    "tpu.region"() ({
      %run_scoped3A = tpu.sem_alloc : memref<!tpu.dma_semaphore, #tpu.memory_space<semaphore_mem>>
      %dma_start3A = tpu.memref_slice %arg2[%mul3A_7] : memref<327680xi32, #tpu.memory_space<hbm>> -> memref<20480xi32, #tpu.memory_space<hbm>>
      %dma_start3A_51 = tpu.memref_slice %arg2[%mul3A_7] : memref<327680xi32, #tpu.memory_space<hbm>> -> memref<20480xi32, #tpu.memory_space<hbm>>
      tpu.enqueue_dma source(%dma_start3A_51 : memref<20480xi32, #tpu.memory_space<hbm>>) target(%arg6 : memref<20480xi32, #tpu.memory_space<vmem>>) target_semaphore(%run_scoped3A : memref<!tpu.dma_semaphore, #tpu.memory_space<semaphore_mem>>)
      %dma_wait3A = tpu.memref_slice %arg2[%mul3A_7] : memref<327680xi32, #tpu.memory_space<hbm>> -> memref<20480xi32, #tpu.memory_space<hbm>>
      %dma_wait3A_52 = tpu.memref_slice %arg2[%mul3A_7] : memref<327680xi32, #tpu.memory_space<hbm>> -> memref<20480xi32, #tpu.memory_space<hbm>>
      tpu.wait_dma2 semaphore(%run_scoped3A : memref<!tpu.dma_semaphore, #tpu.memory_space<semaphore_mem>>) src(%dma_wait3A_52 : memref<20480xi32, #tpu.memory_space<hbm>>) dst(%arg6 : memref<20480xi32, #tpu.memory_space<vmem>>)
      tpu.yield
    }) : () -> ()
    "tpu.region"() ({
      %run_scoped3A = tpu.sem_alloc : memref<!tpu.dma_semaphore, #tpu.memory_space<semaphore_mem>>
      %dma_start3A = tpu.memref_slice %arg3[%mul3A_7] : memref<327680xi32, #tpu.memory_space<hbm>> -> memref<20480xi32, #tpu.memory_space<hbm>>
      %dma_start3A_51 = tpu.memref_slice %arg3[%mul3A_7] : memref<327680xi32, #tpu.memory_space<hbm>> -> memref<20480xi32, #tpu.memory_space<hbm>>
      tpu.enqueue_dma source(%dma_start3A_51 : memref<20480xi32, #tpu.memory_space<hbm>>) target(%arg7 : memref<20480xi32, #tpu.memory_space<vmem>>) target_semaphore(%run_scoped3A : memref<!tpu.dma_semaphore, #tpu.memory_space<semaphore_mem>>)
      %dma_wait3A = tpu.memref_slice %arg3[%mul3A_7] : memref<327680xi32, #tpu.memory_space<hbm>> -> memref<20480xi32, #tpu.memory_space<hbm>>
      %dma_wait3A_52 = tpu.memref_slice %arg3[%mul3A_7] : memref<327680xi32, #tpu.memory_space<hbm>> -> memref<20480xi32, #tpu.memory_space<hbm>>
      tpu.wait_dma2 semaphore(%run_scoped3A : memref<!tpu.dma_semaphore, #tpu.memory_space<semaphore_mem>>) src(%dma_wait3A_52 : memref<20480xi32, #tpu.memory_space<hbm>>) dst(%arg7 : memref<20480xi32, #tpu.memory_space<vmem>>)
      tpu.yield
    }) : () -> ()
    %scan3A_8 = arith.constant 0 : i32
    %scan3A_9 = arith.constant 0 : i32
    %scan3A_10 = arith.constant 1280 : i32
    %scan3A_11 = arith.addi %scan3A_9, %scan3A_10 : i32
    %scan3A_12 = arith.constant 1 : i32
    scf.for %scan3A_51 = %scan3A_9 to %scan3A_11 step %scan3A_12  : i32 {
      %mul3A_52 = arith.constant 16 : i32
      %mul3A_53 = arith.muli %scan3A_51, %mul3A_52 : i32
      %get3A = arith.index_cast %mul3A_53 : i32 to index
      %get3A_54 = tpu.vector_load %arg6[%get3A] {strides = array<i32>} : memref<20480xi32, #tpu.memory_space<vmem>>, vector<16xi32>,
      %get3A_55 = vector.shape_cast %get3A_54 : vector<16xi32> to vector<16xi32>
      %get3A_56 = arith.index_cast %mul3A_53 : i32 to index
      %get3A_57 = tpu.vector_load %arg7[%get3A_56] {strides = array<i32>} : memref<20480xi32, #tpu.memory_space<vmem>>, vector<16xi32>,
      %get3A_58 = vector.shape_cast %get3A_57 : vector<16xi32> to vector<16xi32>
      %mul3A_59 = arith.constant 10000 : i32
      %mul3A_60 = vector.broadcast %mul3A_59 : i32 to vector<16xi32>
      %mul3A_61 = arith.muli %get3A_55, %mul3A_60 : vector<16xi32>
      %add3A_62 = arith.addi %mul3A_61, %get3A_58 : vector<16xi32>
      %mul3A_63 = arith.constant -1640531527 : i32
      %mul3A_64 = vector.broadcast %mul3A_63 : i32 to vector<16xi32>
      %mul3A_65 = arith.muli %add3A_62, %mul3A_64 : vector<16xi32>
      %shift_right_logical3A = arith.constant 1 : i32
      %shift_right_logical3A_66 = vector.broadcast %shift_right_logical3A : i32 to vector<16xi32>
      %shift_right_logical3A_67 = arith.shrui %mul3A_65, %shift_right_logical3A_66 : vector<16xi32>
      %and3A = arith.constant 1 : i32
      %and3A_68 = vector.broadcast %and3A : i32 to vector<16xi32>
      %and3A_69 = arith.andi %shift_right_logical3A_67, %and3A_68 : vector<16xi32>
      %sub3A = vector.broadcast %arg0 : i32 to vector<16xi32>
      %sub3A_70 = arith.subi %and3A_69, %sub3A : vector<16xi32>
      %eq3A = arith.constant 0 : i32
      %eq3A_71 = vector.broadcast %eq3A : i32 to vector<16xi32>
      %eq3A_72 = arith.cmpi eq, %sub3A_70, %eq3A_71 : vector<16xi32>
      %jit3A = arith.constant 1 : i32
      %jit3A_73 = arith.constant 0 : i32
      %broadcast_in_dim3A = vector.broadcast %jit3A : i32 to vector<16xi32>
      %broadcast_in_dim3A_74 = vector.broadcast %jit3A_73 : i32 to vector<16xi32>
      %select_n3A = arith.select %eq3A_72, %broadcast_in_dim3A, %broadcast_in_dim3A_74 : vector<16xi1>, vector<16xi32>
      %mul3A_75 = arith.constant 16 : i32
      %mul3A_76 = arith.muli %scan3A_51, %mul3A_75 : i32
      %add3A_77 = arith.addi %mul3A_7, %mul3A_76 : i32
      %add3A_78 = vector.broadcast %add3A_77 : i32 to vector<16xi32>
      %add3A_79 = arith.addi %add3A_78, %iota3A : vector<16xi32>
      %mul3A_80 = arith.constant 65536 : i32
      %mul3A_81 = vector.broadcast %mul3A_80 : i32 to vector<16xi32>
      %mul3A_82 = arith.muli %get3A_55, %mul3A_81 : vector<16xi32>
      %add3A_83 = arith.addi %mul3A_82, %get3A_58 : vector<16xi32>
      %swap3A = arith.index_cast %mul3A_53 : i32 to index
      %swap3A_84 = tpu.vector_load %arg6[%swap3A] {strides = array<i32>} : memref<20480xi32, #tpu.memory_space<vmem>>, vector<16xi32>,
      %swap3A_85 = vector.shape_cast %swap3A_84 : vector<16xi32> to vector<16xi32>
      %swap3A_86 = vector.shape_cast %add3A_83 : vector<16xi32> to vector<16xi32>
      tpu.vector_store %arg6[%swap3A], %swap3A_86 {strides = array<i32>} : memref<20480xi32, #tpu.memory_space<vmem>>, vector<16xi32>,
      %eq3A_87 = arith.constant 1 : i32
      %eq3A_88 = vector.broadcast %eq3A_87 : i32 to vector<16xi32>
      %eq3A_89 = arith.cmpi eq, %select_n3A, %eq3A_88 : vector<16xi32>
      %jit3A_90 = arith.constant 134217730 : i32
      %broadcast_in_dim3A_91 = vector.broadcast %jit3A_90 : i32 to vector<16xi32>
      %select_n3A_92 = arith.select %eq3A_89, %add3A_62, %broadcast_in_dim3A_91 : vector<16xi1>, vector<16xi32>
      %lt3A = arith.constant 320000 : i32
      %lt3A_93 = vector.broadcast %lt3A : i32 to vector<16xi32>
      %lt3A_94 = arith.cmpi slt, %add3A_79, %lt3A_93 : vector<16xi32>
      %jit3A_95 = arith.constant 134217729 : i32
      %broadcast_in_dim3A_96 = vector.broadcast %jit3A_95 : i32 to vector<16xi32>
      %select_n3A_97 = arith.select %lt3A_94, %select_n3A_92, %broadcast_in_dim3A_96 : vector<16xi1>, vector<16xi32>
      %swap3A_98 = arith.index_cast %mul3A_53 : i32 to index
      %swap3A_99 = tpu.vector_load %arg7[%swap3A_98] {strides = array<i32>} : memref<20480xi32, #tpu.memory_space<vmem>>, vector<16xi32>,
      %swap3A_100 = vector.shape_cast %swap3A_99 : vector<16xi32> to vector<16xi32>
      %swap3A_101 = vector.shape_cast %select_n3A_97 : vector<16xi32> to vector<16xi32>
      tpu.vector_store %arg7[%swap3A_98], %swap3A_101 {strides = array<i32>} : memref<20480xi32, #tpu.memory_space<vmem>>, vector<16xi32>,
      %swap3A_102 = arith.index_cast %mul3A_53 : i32 to index
      %swap3A_103 = tpu.vector_load %arg10[%swap3A_102] {strides = array<i32>} : memref<20480xi32, #tpu.memory_space<vmem>>, vector<16xi32>,
      %swap3A_104 = vector.shape_cast %swap3A_103 : vector<16xi32> to vector<16xi32>
      %swap3A_105 = vector.shape_cast %add3A_79 : vector<16xi32> to vector<16xi32>
      tpu.vector_store %arg10[%swap3A_102], %swap3A_105 {strides = array<i32>} : memref<20480xi32, #tpu.memory_space<vmem>>, vector<16xi32>,
    }
    %scan3A_13 = arith.constant 1280 : i32
    %barrier3A = arith.constant 0 : index
    tpu.barrier barrier_id(%barrier3A)
    %scan3A_14 = arith.constant 0 : i32
    %scan3A_15 = arith.constant 0 : i32
    %scan3A_16 = arith.constant 2 : i32
    %scan3A_17 = arith.addi %scan3A_15, %scan3A_16 : i32
    %scan3A_18 = arith.constant 1 : i32
    scf.for %scan3A_51 = %scan3A_15 to %scan3A_17 step %scan3A_18  : i32 {
      %mul3A_52 = arith.constant 668265263 : i32
      %mul3A_53 = arith.muli %scan3A_51, %mul3A_52 : i32
      %add3A_54 = arith.constant -1966918051 : i32
      %add3A_55 = arith.addi %add3A_54, %mul3A_53 : i32
      %scan3A_56 = arith.constant 0 : i32
      %scan3A_57 = arith.constant 0 : i32
      %scan3A_58 = arith.constant 1280 : i32
      %scan3A_59 = arith.addi %scan3A_57, %scan3A_58 : i32
      %scan3A_60 = arith.constant 1 : i32
      scf.for %scan3A_70 = %scan3A_57 to %scan3A_59 step %scan3A_60  : i32 {
        %mul3A_71 = arith.constant 16 : i32
        %mul3A_72 = arith.muli %scan3A_70, %mul3A_71 : i32
        %get3A = arith.index_cast %mul3A_72 : i32 to index
        %get3A_73 = tpu.vector_load %arg7[%get3A] {strides = array<i32>} : memref<20480xi32, #tpu.memory_space<vmem>>, vector<16xi32>,
        %get3A_74 = vector.shape_cast %get3A_73 : vector<16xi32> to vector<16xi32>
        %mul3A_75 = vector.broadcast %add3A_55 : i32 to vector<16xi32>
        %mul3A_76 = arith.muli %get3A_74, %mul3A_75 : vector<16xi32>
        %shift_right_logical3A = arith.constant 8 : i32
        %shift_right_logical3A_77 = vector.broadcast %shift_right_logical3A : i32 to vector<16xi32>
        %shift_right_logical3A_78 = arith.shrui %mul3A_76, %shift_right_logical3A_77 : vector<16xi32>
        %and3A = arith.constant 262143 : i32
        %and3A_79 = vector.broadcast %and3A : i32 to vector<16xi32>
        %and3A_80 = arith.andi %shift_right_logical3A_78, %and3A_79 : vector<16xi32>
        %lt3A = arith.constant 134217728 : i32
        %lt3A_81 = vector.broadcast %lt3A : i32 to vector<16xi32>
        %lt3A_82 = arith.cmpi slt, %get3A_74, %lt3A_81 : vector<16xi32>
        %jit3A = arith.constant 262144 : i32
        %broadcast_in_dim3A = vector.broadcast %jit3A : i32 to vector<16xi32>
        %select_n3A = arith.select %lt3A_82, %and3A_80, %broadcast_in_dim3A : vector<16xi1>, vector<16xi32>
        %swap3A = arith.index_cast %mul3A_72 : i32 to index
        %swap3A_83 = tpu.vector_load %arg8[%swap3A] {strides = array<i32>} : memref<20480xi32, #tpu.memory_space<vmem>>, vector<16xi32>,
        %swap3A_84 = vector.shape_cast %swap3A_83 : vector<16xi32> to vector<16xi32>
        %swap3A_85 = vector.shape_cast %select_n3A : vector<16xi32> to vector<16xi32>
        tpu.vector_store %arg8[%swap3A], %swap3A_85 {strides = array<i32>} : memref<20480xi32, #tpu.memory_space<vmem>>, vector<16xi32>,
        %mul3A_86 = arith.constant 32 : i32
        %mul3A_87 = vector.broadcast %mul3A_86 : i32 to vector<16xi32>
        %mul3A_88 = arith.muli %get3A_74, %mul3A_87 : vector<16xi32>
        %get3A_89 = arith.index_cast %mul3A_72 : i32 to index
        %get3A_90 = tpu.vector_load %arg10[%get3A_89] {strides = array<i32>} : memref<20480xi32, #tpu.memory_space<vmem>>, vector<16xi32>,
        %get3A_91 = vector.shape_cast %get3A_90 : vector<16xi32> to vector<16xi32>
        %and3A_92 = arith.constant 31 : i32
        %and3A_93 = vector.broadcast %and3A_92 : i32 to vector<16xi32>
        %and3A_94 = arith.andi %get3A_91, %and3A_93 : vector<16xi32>
        %add3A_95 = arith.addi %mul3A_88, %and3A_94 : vector<16xi32>
        %swap3A_96 = arith.index_cast %mul3A_72 : i32 to index
        %swap3A_97 = tpu.vector_load %arg9[%swap3A_96] {strides = array<i32>} : memref<20480xi32, #tpu.memory_space<vmem>>, vector<16xi32>,
        %swap3A_98 = vector.shape_cast %swap3A_97 : vector<16xi32> to vector<16xi32>
        %swap3A_99 = vector.shape_cast %add3A_95 : vector<16xi32> to vector<16xi32>
        tpu.vector_store %arg9[%swap3A_96], %swap3A_99 {strides = array<i32>} : memref<20480xi32, #tpu.memory_space<vmem>>, vector<16xi32>,
      }
      %scan3A_61 = arith.constant 1280 : i32
      "tpu.region"() ({
        %run_scoped3A = tpu.sem_alloc : memref<!tpu.dma_semaphore, #tpu.memory_space<semaphore_mem>>
        %dma_start3A = arith.constant 0 : i32
        %dma_start3A_70 = tpu.memref_slice %arg12[%dma_start3A] : memref<262272xi32, #tpu.memory_space<vmem_shared>> -> memref<262272xi32, #tpu.memory_space<vmem_shared>>
        tpu.enqueue_indirect_dma source(%arg9 : memref<20480xi32, #tpu.memory_space<vmem>>) target(%dma_start3A_70 : memref<262272xi32, #tpu.memory_space<vmem_shared>>) offsets(%arg8 : memref<20480xi32, #tpu.memory_space<vmem>>) semaphore(%run_scoped3A : memref<!tpu.dma_semaphore, #tpu.memory_space<semaphore_mem>>)
        %dma_wait3A = arith.constant 0 : i32
        %dma_wait3A_71 = tpu.memref_slice %arg12[%dma_wait3A] : memref<262272xi32, #tpu.memory_space<vmem_shared>> -> memref<262272xi32, #tpu.memory_space<vmem_shared>>
        tpu.wait_indirect_dma semaphore(%run_scoped3A : memref<!tpu.dma_semaphore, #tpu.memory_space<semaphore_mem>>) src(%arg9 : memref<20480xi32, #tpu.memory_space<vmem>>) dst(%dma_wait3A_71 : memref<262272xi32, #tpu.memory_space<vmem_shared>>)
        tpu.yield
      }) : () -> ()
      %barrier3A_62 = arith.constant 0 : index
      tpu.barrier barrier_id(%barrier3A_62)
      "tpu.region"() ({
        %run_scoped3A = tpu.sem_alloc : memref<!tpu.dma_semaphore, #tpu.memory_space<semaphore_mem>>
        %dma_start3A = arith.constant 0 : i32
        %dma_start3A_70 = tpu.memref_slice %arg12[%dma_start3A] : memref<262272xi32, #tpu.memory_space<vmem_shared>> -> memref<262272xi32, #tpu.memory_space<vmem_shared>>
        tpu.enqueue_indirect_dma source(%dma_start3A_70 : memref<262272xi32, #tpu.memory_space<vmem_shared>>) target(%arg9 : memref<20480xi32, #tpu.memory_space<vmem>>) offsets(%arg8 : memref<20480xi32, #tpu.memory_space<vmem>>) semaphore(%run_scoped3A : memref<!tpu.dma_semaphore, #tpu.memory_space<semaphore_mem>>)
        %dma_wait3A = arith.constant 0 : i32
        %dma_wait3A_71 = tpu.memref_slice %arg12[%dma_wait3A] : memref<262272xi32, #tpu.memory_space<vmem_shared>> -> memref<262272xi32, #tpu.memory_space<vmem_shared>>
        tpu.wait_indirect_dma semaphore(%run_scoped3A : memref<!tpu.dma_semaphore, #tpu.memory_space<semaphore_mem>>) src(%dma_wait3A_71 : memref<262272xi32, #tpu.memory_space<vmem_shared>>) dst(%arg9 : memref<20480xi32, #tpu.memory_space<vmem>>)
        tpu.yield
      }) : () -> ()
      %scan3A_63 = arith.constant 0 : i32
      %scan3A_64 = arith.constant 0 : i32
      %scan3A_65 = arith.constant 1280 : i32
      %scan3A_66 = arith.addi %scan3A_64, %scan3A_65 : i32
      %scan3A_67 = arith.constant 1 : i32
      scf.for %scan3A_70 = %scan3A_64 to %scan3A_66 step %scan3A_67  : i32 {
        %mul3A_71 = arith.constant 16 : i32
        %mul3A_72 = arith.muli %scan3A_70, %mul3A_71 : i32
        %get3A = arith.index_cast %mul3A_72 : i32 to index
        %get3A_73 = tpu.vector_load %arg7[%get3A] {strides = array<i32>} : memref<20480xi32, #tpu.memory_space<vmem>>, vector<16xi32>,
        %get3A_74 = vector.shape_cast %get3A_73 : vector<16xi32> to vector<16xi32>
        %lt3A = arith.constant 134217728 : i32
        %lt3A_75 = vector.broadcast %lt3A : i32 to vector<16xi32>
        %lt3A_76 = arith.cmpi slt, %get3A_74, %lt3A_75 : vector<16xi32>
        %jit3A = arith.constant 1 : i32
        %jit3A_77 = arith.constant 0 : i32
        %broadcast_in_dim3A = vector.broadcast %jit3A : i32 to vector<16xi32>
        %broadcast_in_dim3A_78 = vector.broadcast %jit3A_77 : i32 to vector<16xi32>
        %select_n3A = arith.select %lt3A_76, %broadcast_in_dim3A, %broadcast_in_dim3A_78 : vector<16xi1>, vector<16xi32>
        %mul3A_79 = arith.constant 32 : i32
        %mul3A_80 = vector.broadcast %mul3A_79 : i32 to vector<16xi32>
        %mul3A_81 = arith.muli %get3A_74, %mul3A_80 : vector<16xi32>
        %get3A_82 = arith.index_cast %mul3A_72 : i32 to index
        %get3A_83 = tpu.vector_load %arg10[%get3A_82] {strides = array<i32>} : memref<20480xi32, #tpu.memory_space<vmem>>, vector<16xi32>,
        %get3A_84 = vector.shape_cast %get3A_83 : vector<16xi32> to vector<16xi32>
        %and3A = arith.constant 31 : i32
        %and3A_85 = vector.broadcast %and3A : i32 to vector<16xi32>
        %and3A_86 = arith.andi %get3A_84, %and3A_85 : vector<16xi32>
        %add3A_87 = arith.addi %mul3A_81, %and3A_86 : vector<16xi32>
        %get3A_88 = arith.index_cast %mul3A_72 : i32 to index
        %get3A_89 = tpu.vector_load %arg9[%get3A_88] {strides = array<i32>} : memref<20480xi32, #tpu.memory_space<vmem>>, vector<16xi32>,
        %get3A_90 = vector.shape_cast %get3A_89 : vector<16xi32> to vector<16xi32>
        %shift_right_logical3A = arith.constant 5 : i32
        %shift_right_logical3A_91 = vector.broadcast %shift_right_logical3A : i32 to vector<16xi32>
        %shift_right_logical3A_92 = arith.shrui %get3A_90, %shift_right_logical3A_91 : vector<16xi32>
        %get3A_93 = arith.index_cast %mul3A_72 : i32 to index
        %get3A_94 = tpu.vector_load %arg9[%get3A_93] {strides = array<i32>} : memref<20480xi32, #tpu.memory_space<vmem>>, vector<16xi32>,
        %get3A_95 = vector.shape_cast %get3A_94 : vector<16xi32> to vector<16xi32>
        %eq3A = arith.cmpi eq, %get3A_95, %add3A_87 : vector<16xi32>
        %jit3A_96 = arith.constant 1 : i32
        %jit3A_97 = arith.constant 0 : i32
        %broadcast_in_dim3A_98 = vector.broadcast %jit3A_96 : i32 to vector<16xi32>
        %broadcast_in_dim3A_99 = vector.broadcast %jit3A_97 : i32 to vector<16xi32>
        %select_n3A_100 = arith.select %eq3A, %broadcast_in_dim3A_98, %broadcast_in_dim3A_99 : vector<16xi1>, vector<16xi32>
        %eq3A_101 = arith.cmpi eq, %shift_right_logical3A_92, %get3A_74 : vector<16xi32>
        %jit3A_102 = arith.constant 1 : i32
        %jit3A_103 = arith.constant 0 : i32
        %broadcast_in_dim3A_104 = vector.broadcast %jit3A_102 : i32 to vector<16xi32>
        %broadcast_in_dim3A_105 = vector.broadcast %jit3A_103 : i32 to vector<16xi32>
        %select_n3A_106 = arith.select %eq3A_101, %broadcast_in_dim3A_104, %broadcast_in_dim3A_105 : vector<16xi1>, vector<16xi32>
        %mul3A_107 = arith.muli %select_n3A, %select_n3A_100 : vector<16xi32>
        %mul3A_108 = arith.muli %select_n3A, %select_n3A_106 : vector<16xi32>
        %sub3A = arith.constant 1 : i32
        %sub3A_109 = vector.broadcast %sub3A : i32 to vector<16xi32>
        %sub3A_110 = arith.subi %sub3A_109, %select_n3A_100 : vector<16xi32>
        %mul3A_111 = arith.muli %mul3A_108, %sub3A_110 : vector<16xi32>
        %eq3A_112 = arith.constant 1 : i32
        %eq3A_113 = vector.broadcast %eq3A_112 : i32 to vector<16xi32>
        %eq3A_114 = arith.cmpi eq, %mul3A_107, %eq3A_113 : vector<16xi32>
        %jit3A_115 = arith.constant 134217728 : i32
        %broadcast_in_dim3A_116 = vector.broadcast %jit3A_115 : i32 to vector<16xi32>
        %select_n3A_117 = arith.select %eq3A_114, %broadcast_in_dim3A_116, %get3A_74 : vector<16xi1>, vector<16xi32>
        %eq3A_118 = arith.constant 1 : i32
        %eq3A_119 = vector.broadcast %eq3A_118 : i32 to vector<16xi32>
        %eq3A_120 = arith.cmpi eq, %mul3A_111, %eq3A_119 : vector<16xi32>
        %jit3A_121 = arith.constant 134217729 : i32
        %broadcast_in_dim3A_122 = vector.broadcast %jit3A_121 : i32 to vector<16xi32>
        %select_n3A_123 = arith.select %eq3A_120, %broadcast_in_dim3A_122, %select_n3A_117 : vector<16xi1>, vector<16xi32>
        %swap3A = arith.index_cast %mul3A_72 : i32 to index
        %swap3A_124 = tpu.vector_load %arg7[%swap3A] {strides = array<i32>} : memref<20480xi32, #tpu.memory_space<vmem>>, vector<16xi32>,
        %swap3A_125 = vector.shape_cast %swap3A_124 : vector<16xi32> to vector<16xi32>
        %swap3A_126 = vector.shape_cast %select_n3A_123 : vector<16xi32> to vector<16xi32>
        tpu.vector_store %arg7[%swap3A], %swap3A_126 {strides = array<i32>} : memref<20480xi32, #tpu.memory_space<vmem>>, vector<16xi32>,
      }
      %scan3A_68 = arith.constant 1280 : i32
      %barrier3A_69 = arith.constant 0 : index
      tpu.barrier barrier_id(%barrier3A_69)
    }
    %scan3A_19 = arith.constant 2 : i32
    %scan3A_20 = arith.constant 0 : i32
    %scan3A_21 = arith.constant -1531793251 : i32
    %scan3A_22 = arith.constant 0 : i32
    %scan3A_23 = arith.constant 1280 : i32
    %scan3A_24 = arith.addi %scan3A_22, %scan3A_23 : i32
    %scan3A_25 = arith.constant 1 : i32
    scf.for %scan3A_51 = %scan3A_22 to %scan3A_24 step %scan3A_25  : i32 {
      %mul3A_52 = arith.constant 16 : i32
      %mul3A_53 = arith.muli %scan3A_51, %mul3A_52 : i32
      %get3A = arith.index_cast %mul3A_53 : i32 to index
      %get3A_54 = tpu.vector_load %arg7[%get3A] {strides = array<i32>} : memref<20480xi32, #tpu.memory_space<vmem>>, vector<16xi32>,
      %get3A_55 = vector.shape_cast %get3A_54 : vector<16xi32> to vector<16xi32>
      %eq3A = arith.constant 134217728 : i32
      %eq3A_56 = vector.broadcast %eq3A : i32 to vector<16xi32>
      %eq3A_57 = arith.cmpi eq, %get3A_55, %eq3A_56 : vector<16xi32>
      %jit3A = arith.constant 1 : i32
      %jit3A_58 = arith.constant 0 : i32
      %broadcast_in_dim3A = vector.broadcast %jit3A : i32 to vector<16xi32>
      %broadcast_in_dim3A_59 = vector.broadcast %jit3A_58 : i32 to vector<16xi32>
      %select_n3A = arith.select %eq3A_57, %broadcast_in_dim3A, %broadcast_in_dim3A_59 : vector<16xi1>, vector<16xi32>
      %lt3A = arith.constant 134217728 : i32
      %lt3A_60 = vector.broadcast %lt3A : i32 to vector<16xi32>
      %lt3A_61 = arith.cmpi slt, %get3A_55, %lt3A_60 : vector<16xi32>
      %jit3A_62 = arith.constant 1 : i32
      %jit3A_63 = arith.constant 0 : i32
      %broadcast_in_dim3A_64 = vector.broadcast %jit3A_62 : i32 to vector<16xi32>
      %broadcast_in_dim3A_65 = vector.broadcast %jit3A_63 : i32 to vector<16xi32>
      %select_n3A_66 = arith.select %lt3A_61, %broadcast_in_dim3A_64, %broadcast_in_dim3A_65 : vector<16xi1>, vector<16xi32>
      %add3A_67 = arith.addi %select_n3A, %select_n3A_66 : vector<16xi32>
      %get3A_68 = arith.index_cast %mul3A_53 : i32 to index
      %get3A_69 = tpu.vector_load %arg6[%get3A_68] {strides = array<i32>} : memref<20480xi32, #tpu.memory_space<vmem>>, vector<16xi32>,
      %get3A_70 = vector.shape_cast %get3A_69 : vector<16xi32> to vector<16xi32>
      %shift_right_logical3A = arith.constant 16 : i32
      %shift_right_logical3A_71 = vector.broadcast %shift_right_logical3A : i32 to vector<16xi32>
      %shift_right_logical3A_72 = arith.shrui %get3A_70, %shift_right_logical3A_71 : vector<16xi32>
      %mul3A_73 = arith.constant 10000 : i32
      %mul3A_74 = vector.broadcast %mul3A_73 : i32 to vector<16xi32>
      %mul3A_75 = arith.muli %shift_right_logical3A_72, %mul3A_74 : vector<16xi32>
      %and3A = arith.constant 65535 : i32
      %and3A_76 = vector.broadcast %and3A : i32 to vector<16xi32>
      %and3A_77 = arith.andi %get3A_70, %and3A_76 : vector<16xi32>
      %add3A_78 = arith.addi %mul3A_75, %and3A_77 : vector<16xi32>
      %mul3A_79 = vector.broadcast %scan3A_21 : i32 to vector<16xi32>
      %mul3A_80 = arith.muli %add3A_78, %mul3A_79 : vector<16xi32>
      %shift_right_logical3A_81 = arith.constant 8 : i32
      %shift_right_logical3A_82 = vector.broadcast %shift_right_logical3A_81 : i32 to vector<16xi32>
      %shift_right_logical3A_83 = arith.shrui %mul3A_80, %shift_right_logical3A_82 : vector<16xi32>
      %and3A_84 = arith.constant 262143 : i32
      %and3A_85 = vector.broadcast %and3A_84 : i32 to vector<16xi32>
      %and3A_86 = arith.andi %shift_right_logical3A_83, %and3A_85 : vector<16xi32>
      %eq3A_87 = arith.constant 1 : i32
      %eq3A_88 = vector.broadcast %eq3A_87 : i32 to vector<16xi32>
      %eq3A_89 = arith.cmpi eq, %add3A_67, %eq3A_88 : vector<16xi32>
      %jit3A_90 = arith.constant 262144 : i32
      %broadcast_in_dim3A_91 = vector.broadcast %jit3A_90 : i32 to vector<16xi32>
      %select_n3A_92 = arith.select %eq3A_89, %and3A_86, %broadcast_in_dim3A_91 : vector<16xi1>, vector<16xi32>
      %swap3A = arith.index_cast %mul3A_53 : i32 to index
      %swap3A_93 = tpu.vector_load %arg8[%swap3A] {strides = array<i32>} : memref<20480xi32, #tpu.memory_space<vmem>>, vector<16xi32>,
      %swap3A_94 = vector.shape_cast %swap3A_93 : vector<16xi32> to vector<16xi32>
      %swap3A_95 = vector.shape_cast %select_n3A_92 : vector<16xi32> to vector<16xi32>
      tpu.vector_store %arg8[%swap3A], %swap3A_95 {strides = array<i32>} : memref<20480xi32, #tpu.memory_space<vmem>>, vector<16xi32>,
      %mul3A_96 = arith.constant 32 : i32
      %mul3A_97 = vector.broadcast %mul3A_96 : i32 to vector<16xi32>
      %mul3A_98 = arith.muli %add3A_78, %mul3A_97 : vector<16xi32>
      %get3A_99 = arith.index_cast %mul3A_53 : i32 to index
      %get3A_100 = tpu.vector_load %arg10[%get3A_99] {strides = array<i32>} : memref<20480xi32, #tpu.memory_space<vmem>>, vector<16xi32>,
      %get3A_101 = vector.shape_cast %get3A_100 : vector<16xi32> to vector<16xi32>
      %shift_right_logical3A_102 = arith.constant 5 : i32
      %shift_right_logical3A_103 = vector.broadcast %shift_right_logical3A_102 : i32 to vector<16xi32>
      %shift_right_logical3A_104 = arith.shrui %get3A_101, %shift_right_logical3A_103 : vector<16xi32>
      %and3A_105 = arith.constant 31 : i32
      %and3A_106 = vector.broadcast %and3A_105 : i32 to vector<16xi32>
      %and3A_107 = arith.andi %shift_right_logical3A_104, %and3A_106 : vector<16xi32>
      %add3A_108 = arith.addi %mul3A_98, %and3A_107 : vector<16xi32>
      %swap3A_109 = arith.index_cast %mul3A_53 : i32 to index
      %swap3A_110 = tpu.vector_load %arg9[%swap3A_109] {strides = array<i32>} : memref<20480xi32, #tpu.memory_space<vmem>>, vector<16xi32>,
      %swap3A_111 = vector.shape_cast %swap3A_110 : vector<16xi32> to vector<16xi32>
      %swap3A_112 = vector.shape_cast %add3A_108 : vector<16xi32> to vector<16xi32>
      tpu.vector_store %arg9[%swap3A_109], %swap3A_112 {strides = array<i32>} : memref<20480xi32, #tpu.memory_space<vmem>>, vector<16xi32>,
    }
    %scan3A_26 = arith.constant 1280 : i32
    "tpu.region"() ({
      %run_scoped3A = tpu.sem_alloc : memref<!tpu.dma_semaphore, #tpu.memory_space<semaphore_mem>>
      %dma_start3A = arith.constant 0 : i32
      %dma_start3A_51 = tpu.memref_slice %arg12[%dma_start3A] : memref<262272xi32, #tpu.memory_space<vmem_shared>> -> memref<262272xi32, #tpu.memory_space<vmem_shared>>
      tpu.enqueue_indirect_dma source(%arg9 : memref<20480xi32, #tpu.memory_space<vmem>>) target(%dma_start3A_51 : memref<262272xi32, #tpu.memory_space<vmem_shared>>) offsets(%arg8 : memref<20480xi32, #tpu.memory_space<vmem>>) semaphore(%run_scoped3A : memref<!tpu.dma_semaphore, #tpu.memory_space<semaphore_mem>>)
      %dma_wait3A = arith.constant 0 : i32
      %dma_wait3A_52 = tpu.memref_slice %arg12[%dma_wait3A] : memref<262272xi32, #tpu.memory_space<vmem_shared>> -> memref<262272xi32, #tpu.memory_space<vmem_shared>>
      tpu.wait_indirect_dma semaphore(%run_scoped3A : memref<!tpu.dma_semaphore, #tpu.memory_space<semaphore_mem>>) src(%arg9 : memref<20480xi32, #tpu.memory_space<vmem>>) dst(%dma_wait3A_52 : memref<262272xi32, #tpu.memory_space<vmem_shared>>)
      tpu.yield
    }) : () -> ()
    %barrier3A_27 = arith.constant 0 : index
    tpu.barrier barrier_id(%barrier3A_27)
    "tpu.region"() ({
      %run_scoped3A = tpu.sem_alloc : memref<!tpu.dma_semaphore, #tpu.memory_space<semaphore_mem>>
      %dma_start3A = arith.constant 0 : i32
      %dma_start3A_51 = tpu.memref_slice %arg12[%dma_start3A] : memref<262272xi32, #tpu.memory_space<vmem_shared>> -> memref<262272xi32, #tpu.memory_space<vmem_shared>>
      tpu.enqueue_indirect_dma source(%dma_start3A_51 : memref<262272xi32, #tpu.memory_space<vmem_shared>>) target(%arg9 : memref<20480xi32, #tpu.memory_space<vmem>>) offsets(%arg8 : memref<20480xi32, #tpu.memory_space<vmem>>) semaphore(%run_scoped3A : memref<!tpu.dma_semaphore, #tpu.memory_space<semaphore_mem>>)
      %dma_wait3A = arith.constant 0 : i32
      %dma_wait3A_52 = tpu.memref_slice %arg12[%dma_wait3A] : memref<262272xi32, #tpu.memory_space<vmem_shared>> -> memref<262272xi32, #tpu.memory_space<vmem_shared>>
      tpu.wait_indirect_dma semaphore(%run_scoped3A : memref<!tpu.dma_semaphore, #tpu.memory_space<semaphore_mem>>) src(%dma_wait3A_52 : memref<262272xi32, #tpu.memory_space<vmem_shared>>) dst(%arg9 : memref<20480xi32, #tpu.memory_space<vmem>>)
      tpu.yield
    }) : () -> ()
    %scan3A_28 = arith.constant 0 : i32
    %scan3A_29 = arith.constant 0 : i32
    %scan3A_30 = arith.constant 1280 : i32
    %scan3A_31 = arith.addi %scan3A_29, %scan3A_30 : i32
    %scan3A_32 = arith.constant 1 : i32
    scf.for %scan3A_51 = %scan3A_29 to %scan3A_31 step %scan3A_32  : i32 {
      %mul3A_52 = arith.constant 16 : i32
      %mul3A_53 = arith.muli %scan3A_51, %mul3A_52 : i32
      %get3A = arith.index_cast %mul3A_53 : i32 to index
      %get3A_54 = tpu.vector_load %arg7[%get3A] {strides = array<i32>} : memref<20480xi32, #tpu.memory_space<vmem>>, vector<16xi32>,
      %get3A_55 = vector.shape_cast %get3A_54 : vector<16xi32> to vector<16xi32>
      %eq3A = arith.constant 134217728 : i32
      %eq3A_56 = vector.broadcast %eq3A : i32 to vector<16xi32>
      %eq3A_57 = arith.cmpi eq, %get3A_55, %eq3A_56 : vector<16xi32>
      %jit3A = arith.constant 1 : i32
      %jit3A_58 = arith.constant 0 : i32
      %broadcast_in_dim3A = vector.broadcast %jit3A : i32 to vector<16xi32>
      %broadcast_in_dim3A_59 = vector.broadcast %jit3A_58 : i32 to vector<16xi32>
      %select_n3A = arith.select %eq3A_57, %broadcast_in_dim3A, %broadcast_in_dim3A_59 : vector<16xi1>, vector<16xi32>
      %lt3A = arith.constant 134217728 : i32
      %lt3A_60 = vector.broadcast %lt3A : i32 to vector<16xi32>
      %lt3A_61 = arith.cmpi slt, %get3A_55, %lt3A_60 : vector<16xi32>
      %jit3A_62 = arith.constant 1 : i32
      %jit3A_63 = arith.constant 0 : i32
      %broadcast_in_dim3A_64 = vector.broadcast %jit3A_62 : i32 to vector<16xi32>
      %broadcast_in_dim3A_65 = vector.broadcast %jit3A_63 : i32 to vector<16xi32>
      %select_n3A_66 = arith.select %lt3A_61, %broadcast_in_dim3A_64, %broadcast_in_dim3A_65 : vector<16xi1>, vector<16xi32>
      %add3A_67 = arith.addi %select_n3A, %select_n3A_66 : vector<16xi32>
      %get3A_68 = arith.index_cast %mul3A_53 : i32 to index
      %get3A_69 = tpu.vector_load %arg6[%get3A_68] {strides = array<i32>} : memref<20480xi32, #tpu.memory_space<vmem>>, vector<16xi32>,
      %get3A_70 = vector.shape_cast %get3A_69 : vector<16xi32> to vector<16xi32>
      %shift_right_logical3A = arith.constant 16 : i32
      %shift_right_logical3A_71 = vector.broadcast %shift_right_logical3A : i32 to vector<16xi32>
      %shift_right_logical3A_72 = arith.shrui %get3A_70, %shift_right_logical3A_71 : vector<16xi32>
      %mul3A_73 = arith.constant 10000 : i32
      %mul3A_74 = vector.broadcast %mul3A_73 : i32 to vector<16xi32>
      %mul3A_75 = arith.muli %shift_right_logical3A_72, %mul3A_74 : vector<16xi32>
      %and3A = arith.constant 65535 : i32
      %and3A_76 = vector.broadcast %and3A : i32 to vector<16xi32>
      %and3A_77 = arith.andi %get3A_70, %and3A_76 : vector<16xi32>
      %add3A_78 = arith.addi %mul3A_75, %and3A_77 : vector<16xi32>
      %mul3A_79 = arith.constant 32 : i32
      %mul3A_80 = vector.broadcast %mul3A_79 : i32 to vector<16xi32>
      %mul3A_81 = arith.muli %add3A_78, %mul3A_80 : vector<16xi32>
      %get3A_82 = arith.index_cast %mul3A_53 : i32 to index
      %get3A_83 = tpu.vector_load %arg10[%get3A_82] {strides = array<i32>} : memref<20480xi32, #tpu.memory_space<vmem>>, vector<16xi32>,
      %get3A_84 = vector.shape_cast %get3A_83 : vector<16xi32> to vector<16xi32>
      %shift_right_logical3A_85 = arith.constant 5 : i32
      %shift_right_logical3A_86 = vector.broadcast %shift_right_logical3A_85 : i32 to vector<16xi32>
      %shift_right_logical3A_87 = arith.shrui %get3A_84, %shift_right_logical3A_86 : vector<16xi32>
      %and3A_88 = arith.constant 31 : i32
      %and3A_89 = vector.broadcast %and3A_88 : i32 to vector<16xi32>
      %and3A_90 = arith.andi %shift_right_logical3A_87, %and3A_89 : vector<16xi32>
      %add3A_91 = arith.addi %mul3A_81, %and3A_90 : vector<16xi32>
      %get3A_92 = arith.index_cast %mul3A_53 : i32 to index
      %get3A_93 = tpu.vector_load %arg9[%get3A_92] {strides = array<i32>} : memref<20480xi32, #tpu.memory_space<vmem>>, vector<16xi32>,
      %get3A_94 = vector.shape_cast %get3A_93 : vector<16xi32> to vector<16xi32>
      %shift_right_logical3A_95 = arith.constant 5 : i32
      %shift_right_logical3A_96 = vector.broadcast %shift_right_logical3A_95 : i32 to vector<16xi32>
      %shift_right_logical3A_97 = arith.shrui %get3A_94, %shift_right_logical3A_96 : vector<16xi32>
      %get3A_98 = arith.index_cast %mul3A_53 : i32 to index
      %get3A_99 = tpu.vector_load %arg9[%get3A_98] {strides = array<i32>} : memref<20480xi32, #tpu.memory_space<vmem>>, vector<16xi32>,
      %get3A_100 = vector.shape_cast %get3A_99 : vector<16xi32> to vector<16xi32>
      %eq3A_101 = arith.cmpi eq, %get3A_100, %add3A_91 : vector<16xi32>
      %jit3A_102 = arith.constant 1 : i32
      %jit3A_103 = arith.constant 0 : i32
      %broadcast_in_dim3A_104 = vector.broadcast %jit3A_102 : i32 to vector<16xi32>
      %broadcast_in_dim3A_105 = vector.broadcast %jit3A_103 : i32 to vector<16xi32>
      %select_n3A_106 = arith.select %eq3A_101, %broadcast_in_dim3A_104, %broadcast_in_dim3A_105 : vector<16xi1>, vector<16xi32>
      %eq3A_107 = arith.cmpi eq, %shift_right_logical3A_97, %add3A_78 : vector<16xi32>
      %jit3A_108 = arith.constant 1 : i32
      %jit3A_109 = arith.constant 0 : i32
      %broadcast_in_dim3A_110 = vector.broadcast %jit3A_108 : i32 to vector<16xi32>
      %broadcast_in_dim3A_111 = vector.broadcast %jit3A_109 : i32 to vector<16xi32>
      %select_n3A_112 = arith.select %eq3A_107, %broadcast_in_dim3A_110, %broadcast_in_dim3A_111 : vector<16xi1>, vector<16xi32>
      %mul3A_113 = arith.muli %add3A_67, %select_n3A_112 : vector<16xi32>
      %sub3A = arith.constant 1 : i32
      %sub3A_114 = vector.broadcast %sub3A : i32 to vector<16xi32>
      %sub3A_115 = arith.subi %sub3A_114, %select_n3A_106 : vector<16xi32>
      %mul3A_116 = arith.muli %mul3A_113, %sub3A_115 : vector<16xi32>
      %eq3A_117 = arith.constant 1 : i32
      %eq3A_118 = vector.broadcast %eq3A_117 : i32 to vector<16xi32>
      %eq3A_119 = arith.cmpi eq, %mul3A_116, %eq3A_118 : vector<16xi32>
      %jit3A_120 = arith.constant 134217729 : i32
      %broadcast_in_dim3A_121 = vector.broadcast %jit3A_120 : i32 to vector<16xi32>
      %select_n3A_122 = arith.select %eq3A_119, %broadcast_in_dim3A_121, %get3A_55 : vector<16xi1>, vector<16xi32>
      %swap3A = arith.index_cast %mul3A_53 : i32 to index
      %swap3A_123 = tpu.vector_load %arg7[%swap3A] {strides = array<i32>} : memref<20480xi32, #tpu.memory_space<vmem>>, vector<16xi32>,
      %swap3A_124 = vector.shape_cast %swap3A_123 : vector<16xi32> to vector<16xi32>
      %swap3A_125 = vector.shape_cast %select_n3A_122 : vector<16xi32> to vector<16xi32>
      tpu.vector_store %arg7[%swap3A], %swap3A_125 {strides = array<i32>} : memref<20480xi32, #tpu.memory_space<vmem>>, vector<16xi32>,
    }
    %scan3A_33 = arith.constant 1280 : i32
    %barrier3A_34 = arith.constant 0 : index
    tpu.barrier barrier_id(%barrier3A_34)
    %scan3A_35 = arith.constant 0 : i32
    %scan3A_36 = arith.constant 0 : i32
    %scan3A_37 = arith.constant 1280 : i32
    %scan3A_38 = arith.addi %scan3A_36, %scan3A_37 : i32
    %scan3A_39 = arith.constant 1 : i32
    scf.for %scan3A_51 = %scan3A_36 to %scan3A_38 step %scan3A_39  : i32 {
      %mul3A_52 = arith.constant 16 : i32
      %mul3A_53 = arith.muli %scan3A_51, %mul3A_52 : i32
      %get3A = arith.index_cast %mul3A_53 : i32 to index
      %get3A_54 = tpu.vector_load %arg7[%get3A] {strides = array<i32>} : memref<20480xi32, #tpu.memory_space<vmem>>, vector<16xi32>,
      %get3A_55 = vector.shape_cast %get3A_54 : vector<16xi32> to vector<16xi32>
      %ne3A = arith.constant 134217730 : i32
      %ne3A_56 = vector.broadcast %ne3A : i32 to vector<16xi32>
      %ne3A_57 = arith.cmpi ne, %get3A_55, %ne3A_56 : vector<16xi32>
      %jit3A = arith.constant 1 : i32
      %jit3A_58 = arith.constant 0 : i32
      %broadcast_in_dim3A = vector.broadcast %jit3A : i32 to vector<16xi32>
      %broadcast_in_dim3A_59 = vector.broadcast %jit3A_58 : i32 to vector<16xi32>
      %select_n3A = arith.select %ne3A_57, %broadcast_in_dim3A, %broadcast_in_dim3A_59 : vector<16xi1>, vector<16xi32>
      %ne3A_60 = arith.constant 134217729 : i32
      %ne3A_61 = vector.broadcast %ne3A_60 : i32 to vector<16xi32>
      %ne3A_62 = arith.cmpi ne, %get3A_55, %ne3A_61 : vector<16xi32>
      %jit3A_63 = arith.constant 1 : i32
      %jit3A_64 = arith.constant 0 : i32
      %broadcast_in_dim3A_65 = vector.broadcast %jit3A_63 : i32 to vector<16xi32>
      %broadcast_in_dim3A_66 = vector.broadcast %jit3A_64 : i32 to vector<16xi32>
      %select_n3A_67 = arith.select %ne3A_62, %broadcast_in_dim3A_65, %broadcast_in_dim3A_66 : vector<16xi1>, vector<16xi32>
      %mul3A_68 = arith.muli %select_n3A, %select_n3A_67 : vector<16xi32>
      %get3A_69 = arith.index_cast %mul3A_53 : i32 to index
      %get3A_70 = tpu.vector_load %arg6[%get3A_69] {strides = array<i32>} : memref<20480xi32, #tpu.memory_space<vmem>>, vector<16xi32>,
      %get3A_71 = vector.shape_cast %get3A_70 : vector<16xi32> to vector<16xi32>
      %shift_right_logical3A = arith.constant 16 : i32
      %shift_right_logical3A_72 = vector.broadcast %shift_right_logical3A : i32 to vector<16xi32>
      %shift_right_logical3A_73 = arith.shrui %get3A_71, %shift_right_logical3A_72 : vector<16xi32>
      %swap3A = arith.index_cast %mul3A_53 : i32 to index
      %swap3A_74 = tpu.vector_load %arg7[%swap3A] {strides = array<i32>} : memref<20480xi32, #tpu.memory_space<vmem>>, vector<16xi32>,
      %swap3A_75 = vector.shape_cast %swap3A_74 : vector<16xi32> to vector<16xi32>
      %swap3A_76 = vector.shape_cast %mul3A_68 : vector<16xi32> to vector<16xi32>
      tpu.vector_store %arg7[%swap3A], %swap3A_76 {strides = array<i32>} : memref<20480xi32, #tpu.memory_space<vmem>>, vector<16xi32>,
      %swap3A_77 = arith.index_cast %mul3A_53 : i32 to index
      %swap3A_78 = tpu.vector_load %arg8[%swap3A_77] {strides = array<i32>} : memref<20480xi32, #tpu.memory_space<vmem>>, vector<16xi32>,
      %swap3A_79 = vector.shape_cast %swap3A_78 : vector<16xi32> to vector<16xi32>
      %swap3A_80 = vector.shape_cast %shift_right_logical3A_73 : vector<16xi32> to vector<16xi32>
      tpu.vector_store %arg8[%swap3A_77], %swap3A_80 {strides = array<i32>} : memref<20480xi32, #tpu.memory_space<vmem>>, vector<16xi32>,
      %eq3A = arith.constant 1 : i32
      %eq3A_81 = vector.broadcast %eq3A : i32 to vector<16xi32>
      %eq3A_82 = arith.cmpi eq, %mul3A_68, %eq3A_81 : vector<16xi32>
      %jit3A_83 = arith.constant 10239 : i32
      %broadcast_in_dim3A_84 = vector.broadcast %jit3A_83 : i32 to vector<16xi32>
      %select_n3A_85 = arith.select %eq3A_82, %shift_right_logical3A_73, %broadcast_in_dim3A_84 : vector<16xi1>, vector<16xi32>
      %swap3A_86 = arith.index_cast %mul3A_53 : i32 to index
      %swap3A_87 = tpu.vector_load %arg6[%swap3A_86] {strides = array<i32>} : memref<20480xi32, #tpu.memory_space<vmem>>, vector<16xi32>,
      %swap3A_88 = vector.shape_cast %swap3A_87 : vector<16xi32> to vector<16xi32>
      %swap3A_89 = vector.shape_cast %select_n3A_85 : vector<16xi32> to vector<16xi32>
      tpu.vector_store %arg6[%swap3A_86], %swap3A_89 {strides = array<i32>} : memref<20480xi32, #tpu.memory_space<vmem>>, vector<16xi32>,
    }
    %scan3A_40 = arith.constant 1280 : i32
    "tpu.region"() ({
      %run_scoped3A = tpu.sem_alloc : memref<!tpu.dma_semaphore, #tpu.memory_space<semaphore_mem>>
      %dma_start3A = arith.constant 0 : i32
      %dma_start3A_51 = tpu.memref_slice %arg13[%dma_start3A] : memref<10240xi32, #tpu.memory_space<vmem_shared>> -> memref<10240xi32, #tpu.memory_space<vmem_shared>>
      tpu.enqueue_indirect_dma source(%arg7 : memref<20480xi32, #tpu.memory_space<vmem>>) target(%dma_start3A_51 : memref<10240xi32, #tpu.memory_space<vmem_shared>>) offsets(%arg8 : memref<20480xi32, #tpu.memory_space<vmem>>) semaphore(%run_scoped3A : memref<!tpu.dma_semaphore, #tpu.memory_space<semaphore_mem>>) {add = true}
      %dma_wait3A = arith.constant 0 : i32
      %dma_wait3A_52 = tpu.memref_slice %arg13[%dma_wait3A] : memref<10240xi32, #tpu.memory_space<vmem_shared>> -> memref<10240xi32, #tpu.memory_space<vmem_shared>>
      tpu.wait_indirect_dma semaphore(%run_scoped3A : memref<!tpu.dma_semaphore, #tpu.memory_space<semaphore_mem>>) src(%arg7 : memref<20480xi32, #tpu.memory_space<vmem>>) dst(%dma_wait3A_52 : memref<10240xi32, #tpu.memory_space<vmem_shared>>)
      tpu.yield
    }) : () -> ()
    %mul3A_41 = arith.constant 327680 : i32
    %mul3A_42 = arith.muli %arg0, %mul3A_41 : i32
    %add3A = arith.addi %mul3A_42, %mul3A_7 : i32
    "tpu.region"() ({
      %run_scoped3A = tpu.sem_alloc : memref<!tpu.dma_semaphore, #tpu.memory_space<semaphore_mem>>
      %dma_start3A = tpu.memref_slice %arg5[%add3A] : memref<655360xi32, #tpu.memory_space<hbm>> -> memref<20480xi32, #tpu.memory_space<hbm>>
      %dma_start3A_51 = tpu.memref_slice %arg5[%add3A] : memref<655360xi32, #tpu.memory_space<hbm>> -> memref<20480xi32, #tpu.memory_space<hbm>>
      tpu.enqueue_dma source(%arg6 : memref<20480xi32, #tpu.memory_space<vmem>>) target(%dma_start3A_51 : memref<20480xi32, #tpu.memory_space<hbm>>) target_semaphore(%run_scoped3A : memref<!tpu.dma_semaphore, #tpu.memory_space<semaphore_mem>>)
      %dma_wait3A = tpu.memref_slice %arg5[%add3A] : memref<655360xi32, #tpu.memory_space<hbm>> -> memref<20480xi32, #tpu.memory_space<hbm>>
      %dma_wait3A_52 = tpu.memref_slice %arg5[%add3A] : memref<655360xi32, #tpu.memory_space<hbm>> -> memref<20480xi32, #tpu.memory_space<hbm>>
      tpu.wait_dma2 semaphore(%run_scoped3A : memref<!tpu.dma_semaphore, #tpu.memory_space<semaphore_mem>>) src(%arg6 : memref<20480xi32, #tpu.memory_space<vmem>>) dst(%dma_wait3A_52 : memref<20480xi32, #tpu.memory_space<hbm>>)
      tpu.yield
    }) : () -> ()
    %barrier3A_43 = arith.constant 0 : index
    tpu.barrier barrier_id(%barrier3A_43)
    %mul3A_44 = arith.constant 640 : i32
    %mul3A_45 = arith.muli %arg1, %mul3A_44 : i32
    %mul3A_46 = arith.constant 10240 : i32
    %mul3A_47 = arith.muli %arg0, %mul3A_46 : i32
    %mul3A_48 = arith.constant 640 : i32
    %mul3A_49 = arith.muli %arg1, %mul3A_48 : i32
    %add3A_50 = arith.addi %mul3A_47, %mul3A_49 : i32
    "tpu.region"() ({
      %run_scoped3A = tpu.sem_alloc : memref<!tpu.dma_semaphore, #tpu.memory_space<semaphore_mem>>
      %dma_start3A = tpu.memref_slice %arg4[%add3A_50] : memref<20480xi32, #tpu.memory_space<hbm>> -> memref<640xi32, #tpu.memory_space<hbm>>
      %dma_start3A_51 = tpu.memref_slice %arg13[%mul3A_45] : memref<10240xi32, #tpu.memory_space<vmem_shared>> -> memref<640xi32, #tpu.memory_space<vmem_shared>>
      tpu.enqueue_dma source(%dma_start3A_51 : memref<640xi32, #tpu.memory_space<vmem_shared>>) target(%dma_start3A : memref<640xi32, #tpu.memory_space<hbm>>) target_semaphore(%run_scoped3A : memref<!tpu.dma_semaphore, #tpu.memory_space<semaphore_mem>>)
      %dma_wait3A = tpu.memref_slice %arg4[%add3A_50] : memref<20480xi32, #tpu.memory_space<hbm>> -> memref<640xi32, #tpu.memory_space<hbm>>
      %dma_wait3A_52 = tpu.memref_slice %arg13[%mul3A_45] : memref<10240xi32, #tpu.memory_space<vmem_shared>> -> memref<640xi32, #tpu.memory_space<vmem_shared>>
      tpu.wait_dma2 semaphore(%run_scoped3A : memref<!tpu.dma_semaphore, #tpu.memory_space<semaphore_mem>>) src(%dma_wait3A_52 : memref<640xi32, #tpu.memory_space<vmem_shared>>) dst(%dma_wait3A : memref<640xi32, #tpu.memory_space<hbm>>)
      tpu.yield
    }) : () -> ()
    return
  }
}

module attributes {stable_mosaic.version = 14 : i64} {
  func.func @_k3_body(%arg0: i32, %arg1: memref<128x128xf32, #tpu.memory_space<vmem>>, %arg2: memref<128x128xf32, #tpu.memory_space<vmem>>, %arg3: memref<2x128x1xi32, #tpu.memory_space<vmem>>, %arg4: memref<1x1xf32, #tpu.memory_space<vmem>>, %arg5: memref<128x128xf32, #tpu.memory_space<vmem>>, %arg6: memref<128x128xf32, #tpu.memory_space<vmem>>) attributes {dimension_semantics = [#tpu.dimension_semantics<arbitrary>], iteration_bounds = array<i64: 80>, scalar_prefetch = 0 : i64, scratch_operands = 0 : i64, tpu.core_type = #tpu.core_type<tc>, window_params = [{transform_indices = @transform_0, window_bounds = array<i64: 128, 128>}, {pipeline_mode = #tpu.pipeline_mode<synchronous>, transform_indices = @transform_1, window_bounds = array<i64: 128, 128>}, {transform_indices = @transform_2, window_bounds = array<i64: 2, 128, 1>}, {pipeline_mode = #tpu.pipeline_mode<synchronous>, transform_indices = @transform_3, window_bounds = array<i64: 1, 1>}, {transform_indices = @transform_4, window_bounds = array<i64: 128, 128>}, {transform_indices = @transform_5, window_bounds = array<i64: 128, 128>}]} {
    %get3A = arith.constant 0 : index
    %get3A_0 = arith.constant 0 : index
    %get3A_1 = vector.load %arg1[%get3A, %get3A_0] : memref<128x128xf32, #tpu.memory_space<vmem>>, vector<128x128xf32>
    %get3A_2 = arith.constant 0 : index
    %get3A_3 = arith.constant 0 : index
    %get3A_4 = vector.load %arg2[%get3A_2, %get3A_3] : memref<128x128xf32, #tpu.memory_space<vmem>>, vector<128x128xf32>
    %dot_general3A = arith.constant dense<0.000000e+00> : vector<128x128xf32>
    %dot_general3A_5 = tpu.matmul %get3A_1, %get3A_4, %dot_general3A {dimension_numbers = #tpu.dot_dimension_numbers<[1], [0], [0], [1], [0, 0, 1, 1], [], []>, transpose_lhs_hint = false} : vector<128x128xf32>, vector<128x128xf32>, vector<128x128xf32> -> vector<128x128xf32>
    %get3A_6 = arith.constant 0 : index
    %get3A_7 = arith.constant 0 : index
    %get3A_8 = arith.constant 0 : index
    %get3A_9 = vector.load %arg3[%get3A_6, %get3A_7, %get3A_8] : memref<2x128x1xi32, #tpu.memory_space<vmem>>, vector<2x128x1xi32>
    %slice3A = vector.extract_strided_slice %get3A_9 {offsets = [0, 0, 0], sizes = [1, 128, 1], strides = [1, 1, 1]} : vector<2x128x1xi32> to vector<1x128x1xi32>
    %squeeze3A = vector.shape_cast %slice3A : vector<1x128x1xi32> to vector<128x1xi32>
    %slice3A_10 = vector.extract_strided_slice %get3A_9 {offsets = [1, 0, 0], sizes = [1, 128, 1], strides = [1, 1, 1]} : vector<2x128x1xi32> to vector<1x128x1xi32>
    %squeeze3A_11 = vector.shape_cast %slice3A_10 : vector<1x128x1xi32> to vector<128x1xi32>
    %add3A = arith.addi %squeeze3A, %squeeze3A_11 : vector<128x1xi32>
    %convert_element_type3A = arith.sitofp %add3A : vector<128x1xi32> to vector<128x1xf32>
    %add3A_12 = arith.constant 1.000000e+00 : f32
    %add3A_13 = vector.broadcast %add3A_12 : f32 to vector<128x1xf32>
    %add3A_14 = arith.addf %convert_element_type3A, %add3A_13 : vector<128x1xf32>
    %get3A_15 = arith.constant 0 : index
    %get3A_16 = arith.constant 0 : index
    %get3A_17 = vector.load %arg4[%get3A_15, %get3A_16] : memref<1x1xf32, #tpu.memory_space<vmem>>, vector<1x1xf32>
    %rsqrt3A = math.rsqrt %add3A_14 : vector<128x1xf32>
    %sub3A = arith.constant 1.000000e+00 : f32
    %sub3A_18 = vector.broadcast %sub3A : f32 to vector<128x1xf32>
    %sub3A_19 = arith.subf %rsqrt3A, %sub3A_18 : vector<128x1xf32>
    %mul3A = vector.broadcast %get3A_17 : vector<1x1xf32> to vector<128x1xf32>
    %mul3A_20 = arith.mulf %mul3A, %sub3A_19 : vector<128x1xf32>
    %add3A_21 = arith.constant 1.000000e+00 : f32
    %add3A_22 = vector.broadcast %add3A_21 : f32 to vector<128x1xf32>
    %add3A_23 = arith.addf %mul3A_20, %add3A_22 : vector<128x1xf32>
    %swap3A = arith.constant 0 : index
    %swap3A_24 = arith.constant 0 : index
    %swap3A_25 = vector.load %arg5[%swap3A, %swap3A_24] : memref<128x128xf32, #tpu.memory_space<vmem>>, vector<128x128xf32>
    tpu.vector_store %arg5[%swap3A, %swap3A_24], %dot_general3A_5 {strides = array<i32>} : memref<128x128xf32, #tpu.memory_space<vmem>>, vector<128x128xf32>,
    %mul3A_26 = vector.broadcast %add3A_23 : vector<128x1xf32> to vector<128x128xf32>
    %mul3A_27 = arith.mulf %mul3A_26, %dot_general3A_5 : vector<128x128xf32>
    %swap3A_28 = arith.constant 0 : index
    %swap3A_29 = arith.constant 0 : index
    %swap3A_30 = vector.load %arg6[%swap3A_28, %swap3A_29] : memref<128x128xf32, #tpu.memory_space<vmem>>, vector<128x128xf32>
    tpu.vector_store %arg6[%swap3A_28, %swap3A_29], %mul3A_27 {strides = array<i32>} : memref<128x128xf32, #tpu.memory_space<vmem>>, vector<128x128xf32>,
    return
  }
  func.func @transform_0(%arg0: i32) -> (i32, i32) {
    %c0_i32 = arith.constant 0 : i32
    %c0_i32_0 = arith.constant 0 : i32
    return %arg0, %c0_i32 : i32, i32
  }
  func.func @transform_1(%arg0: i32) -> (i32, i32) {
    %c0_i32 = arith.constant 0 : i32
    %c0_i32_0 = arith.constant 0 : i32
    %c0_i32_1 = arith.constant 0 : i32
    return %c0_i32, %c0_i32_0 : i32, i32
  }
  func.func @transform_2(%arg0: i32) -> (i32, i32, i32) {
    %c0_i32 = arith.constant 0 : i32
    %c0_i32_0 = arith.constant 0 : i32
    %c0_i32_1 = arith.constant 0 : i32
    return %c0_i32, %arg0, %c0_i32_0 : i32, i32, i32
  }
  func.func @transform_3(%arg0: i32) -> (i32, i32) {
    %c0_i32 = arith.constant 0 : i32
    %c0_i32_0 = arith.constant 0 : i32
    %c0_i32_1 = arith.constant 0 : i32
    return %c0_i32, %c0_i32_0 : i32, i32
  }
  func.func @transform_4(%arg0: i32) -> (i32, i32) {
    %c0_i32 = arith.constant 0 : i32
    %c0_i32_0 = arith.constant 0 : i32
    return %arg0, %c0_i32 : i32, i32
  }
  func.func @transform_5(%arg0: i32) -> (i32, i32) {
    %c0_i32 = arith.constant 0 : i32
    %c0_i32_0 = arith.constant 0 : i32
    return %arg0, %c0_i32 : i32, i32
  }
}

module attributes {stable_mosaic.version = 14 : i64} {
  func.func @_k5_body(%arg0: i32, %arg1: memref<128x128xf32, #tpu.memory_space<vmem>>, %arg2: memref<2x128x1xi32, #tpu.memory_space<vmem>>, %arg3: memref<128x128xf32, #tpu.memory_space<vmem>>, %arg4: memref<1x128xf32, #tpu.memory_space<vmem>>, %arg5: memref<1x1xf32, #tpu.memory_space<vmem>>, %arg6: memref<128x128xf32, #tpu.memory_space<vmem>>) attributes {dimension_semantics = [#tpu.dimension_semantics<arbitrary>], iteration_bounds = array<i64: 80>, scalar_prefetch = 0 : i64, scratch_operands = 0 : i64, tpu.core_type = #tpu.core_type<tc>, window_params = [{transform_indices = @transform_0, window_bounds = array<i64: 128, 128>}, {transform_indices = @transform_1, window_bounds = array<i64: 2, 128, 1>}, {transform_indices = @transform_2, window_bounds = array<i64: 128, 128>}, {pipeline_mode = #tpu.pipeline_mode<synchronous>, transform_indices = @transform_3, window_bounds = array<i64: 1, 128>}, {pipeline_mode = #tpu.pipeline_mode<synchronous>, transform_indices = @transform_4, window_bounds = array<i64: 1, 1>}, {transform_indices = @transform_5, window_bounds = array<i64: 128, 128>}]} {
    %get3A = arith.constant 0 : index
    %get3A_0 = arith.constant 0 : index
    %get3A_1 = arith.constant 0 : index
    %get3A_2 = vector.load %arg2[%get3A, %get3A_0, %get3A_1] : memref<2x128x1xi32, #tpu.memory_space<vmem>>, vector<2x128x1xi32>
    %slice3A = vector.extract_strided_slice %get3A_2 {offsets = [0, 0, 0], sizes = [1, 128, 1], strides = [1, 1, 1]} : vector<2x128x1xi32> to vector<1x128x1xi32>
    %squeeze3A = vector.shape_cast %slice3A : vector<1x128x1xi32> to vector<128x1xi32>
    %slice3A_3 = vector.extract_strided_slice %get3A_2 {offsets = [1, 0, 0], sizes = [1, 128, 1], strides = [1, 1, 1]} : vector<2x128x1xi32> to vector<1x128x1xi32>
    %squeeze3A_4 = vector.shape_cast %slice3A_3 : vector<1x128x1xi32> to vector<128x1xi32>
    %add3A = arith.addi %squeeze3A, %squeeze3A_4 : vector<128x1xi32>
    %convert_element_type3A = arith.sitofp %add3A : vector<128x1xi32> to vector<128x1xf32>
    %add3A_5 = arith.constant 1.000000e+00 : f32
    %add3A_6 = vector.broadcast %add3A_5 : f32 to vector<128x1xf32>
    %add3A_7 = arith.addf %convert_element_type3A, %add3A_6 : vector<128x1xf32>
    %get3A_8 = arith.constant 0 : index
    %get3A_9 = arith.constant 0 : index
    %get3A_10 = vector.load %arg5[%get3A_8, %get3A_9] : memref<1x1xf32, #tpu.memory_space<vmem>>, vector<1x1xf32>
    %rsqrt3A = math.rsqrt %add3A_7 : vector<128x1xf32>
    %sub3A = arith.constant 1.000000e+00 : f32
    %sub3A_11 = vector.broadcast %sub3A : f32 to vector<128x1xf32>
    %sub3A_12 = arith.subf %rsqrt3A, %sub3A_11 : vector<128x1xf32>
    %mul3A = vector.broadcast %get3A_10 : vector<1x1xf32> to vector<128x1xf32>
    %mul3A_13 = arith.mulf %mul3A, %sub3A_12 : vector<128x1xf32>
    %add3A_14 = arith.constant 1.000000e+00 : f32
    %add3A_15 = vector.broadcast %add3A_14 : f32 to vector<128x1xf32>
    %add3A_16 = arith.addf %mul3A_13, %add3A_15 : vector<128x1xf32>
    %get3A_17 = arith.constant 0 : index
    %get3A_18 = arith.constant 0 : index
    %get3A_19 = vector.load %arg1[%get3A_17, %get3A_18] : memref<128x128xf32, #tpu.memory_space<vmem>>, vector<128x128xf32>
    %get3A_20 = arith.constant 0 : index
    %get3A_21 = arith.constant 0 : index
    %get3A_22 = vector.load %arg3[%get3A_20, %get3A_21] : memref<128x128xf32, #tpu.memory_space<vmem>>, vector<128x128xf32>
    %mul3A_23 = vector.broadcast %add3A_16 : vector<128x1xf32> to vector<128x128xf32>
    %mul3A_24 = arith.mulf %mul3A_23, %get3A_22 : vector<128x128xf32>
    %add3A_25 = arith.addf %get3A_19, %mul3A_24 : vector<128x128xf32>
    %mul3A_26 = vector.broadcast %add3A_16 : vector<128x1xf32> to vector<128x128xf32>
    %mul3A_27 = arith.mulf %mul3A_26, %add3A_25 : vector<128x128xf32>
    %get3A_28 = arith.constant 0 : index
    %get3A_29 = arith.constant 0 : index
    %get3A_30 = vector.load %arg4[%get3A_28, %get3A_29] : memref<1x128xf32, #tpu.memory_space<vmem>>, vector<1x128xf32>
    %add3A_31 = vector.broadcast %get3A_30 : vector<1x128xf32> to vector<128x128xf32>
    %add3A_32 = arith.addf %mul3A_27, %add3A_31 : vector<128x128xf32>
    %swap3A = arith.constant 0 : index
    %swap3A_33 = arith.constant 0 : index
    %swap3A_34 = vector.load %arg6[%swap3A, %swap3A_33] : memref<128x128xf32, #tpu.memory_space<vmem>>, vector<128x128xf32>
    tpu.vector_store %arg6[%swap3A, %swap3A_33], %add3A_32 {strides = array<i32>} : memref<128x128xf32, #tpu.memory_space<vmem>>, vector<128x128xf32>,
    return
  }
  func.func @transform_0(%arg0: i32) -> (i32, i32) {
    %c0_i32 = arith.constant 0 : i32
    %c0_i32_0 = arith.constant 0 : i32
    return %arg0, %c0_i32 : i32, i32
  }
  func.func @transform_1(%arg0: i32) -> (i32, i32, i32) {
    %c0_i32 = arith.constant 0 : i32
    %c0_i32_0 = arith.constant 0 : i32
    %c0_i32_1 = arith.constant 0 : i32
    return %c0_i32, %arg0, %c0_i32_0 : i32, i32, i32
  }
  func.func @transform_2(%arg0: i32) -> (i32, i32) {
    %c0_i32 = arith.constant 0 : i32
    %c0_i32_0 = arith.constant 0 : i32
    return %arg0, %c0_i32 : i32, i32
  }
  func.func @transform_3(%arg0: i32) -> (i32, i32) {
    %c0_i32 = arith.constant 0 : i32
    %c0_i32_0 = arith.constant 0 : i32
    %c0_i32_1 = arith.constant 0 : i32
    return %c0_i32, %c0_i32_0 : i32, i32
  }
  func.func @transform_4(%arg0: i32) -> (i32, i32) {
    %c0_i32 = arith.constant 0 : i32
    %c0_i32_0 = arith.constant 0 : i32
    %c0_i32_1 = arith.constant 0 : i32
    return %c0_i32, %c0_i32_0 : i32, i32
  }
  func.func @transform_5(%arg0: i32) -> (i32, i32) {
    %c0_i32 = arith.constant 0 : i32
    %c0_i32_0 = arith.constant 0 : i32
    return %arg0, %c0_i32 : i32, i32
  }
}

</mosaic_0001>

<sc_bundles>
// kernel: kernel.6.cloned.1.call-start
scs
__scs_entry_jumppad:
0x0: {  	(pc) =	sbr.rel $0x88, $3  }
0x1: {  	(tag) =	ssettag $0x0;
	lr =	simm.s32 $0x1  }
0x2: {  	[smem:$0x3F9C] =	sst lr;
	_ =	strace $0xD0000000  }
0x3: {  	_ = 	snop  }
0x4: {  	_ = 	snop  }
0x5: {  	_ = 	snop  }
0x6: {  	_ = 	snop  }
0x7: {  	_ = 	snop  }
__scs_overlays_trampoline_lowered:
0x8: {  	[smem:$0x3FAB] =	sst s0  }
0x9: {  	[smem:$0x3FAC] =	sst s1  }
0xa: {  	[smem:$0x3FAD] =	sst s2  }
0xb: {  	[smem:$0x3FAE] =	sst s3  }
0xc: {  	[smem:$0x3FAF] =	sst s4  }
0xd: {  	[smem:$0x3FB0] =	sst s5  }
0xe: {  	[smem:$0x3FB1] =	sst s6  }
0xf: {  	[smem:$0x3FB2] =	sst s7  }
0x10: {  	[smem:$0x3FB3] =	sst s8  }
0x11: {  	[smem:$0x3FB4] =	sst s9;
	s0 =	simm.s32 @!p0 $0x0  }
0x12: {  	s1 =	sld [smem:$0x3F9A];
	s0 =	simm.s32 @p0 $0x1  }
0x13: {  	[smem:$0x3FB5] =	sst s0;
	s0 =	simm.s32 @!p1 $0x0  }
0x14: {  	s2 =	sld [smem:$0x3F99];
	s0 =	simm.s32 @p1 $0x1  }
0x15: {  	[smem:$0x3FB6] =	sst s0;
	s0 =	simm.s32 @!p2 $0x0  }
0x16: {  	s3 =	sld [smem:$0x3FDB];
	s0 =	simm.s32 @p2 $0x1  }
0x17: {  	s4 =	simm.s32 $0x1BF5;
	[smem:$0x3FB8] =	sst s0  }
0x18: {  	s0 =	sld [smem:$0x3F9B];
	_ =	swait.ge [sflag:s4], $0x0  }
0x19: {  	s7 =	sld [smem:$0x3F9C]  }
0x1a: {  	s8 =	sadd.s32 $0xFFFFE003, lr  }
0x1b: {  	s9 =	sadd.s32 $0xFFFFFEF7, lr;
	s5 =	simm.s32 $0xFFFFFFFF;
	p2 =	slt.u32 s8, $0xFFFFF086  }
0x1c: {  	p1 =	slt.u32 s9, $0xF7A;
	s5 =	simm.s32 @!p2 $0x0  }
0x1d: {  	s5 =	simm.s32 @p1 $0x1;
	p0 =	seq.s32 s7, s2  }
0x1e: {  	s7 =	smul.u32 @!p0 $0xF7A, s2;
	p2 =	seq.s32 @!p0 s5, $0x0  }
0x1f: {  	s9 =	smul.u32 $0xF7A, s1;
	s8 =	simm.s32 @!p0 $0x1BF5;
	p2 =	por !p2, p0  }
0x20: {  	[sflag:s8] =	ssyncset.s32 @!p0 $0xFFFFF086;
	s6 =	sadd.s32 @!p0 s3, s7;
	s7 =	simm.s32 @!p0 $0x108  }
0x21: {  	s3 =	sadd.s32 s3, s9;
	s6 =	sadd.s32 @!p0 $0x88, s6;
	s7 =	simm.s32 @p2 $0x1082  }
0x22: {  	[simem:s7], [sflag:s8] =	dma.local @!p0 [hbm:s6], $0xF7A  }
0x23: {  	s9 =	sor.u32 $0xD0000000, s2;
	s6 =	simm.s32 $0x108;
	_ =	swait.ge @!p0 [sflag:s8], $0x0  }
0x24: {  	s3 =	sadd.s32 $0x88, s3;
	s6 =	simm.s32 @!p1 $0x1082;
	[sflag:s4] =	ssyncset.s32 $0xFFFFF086  }
0x25: {  	[simem:s6], [sflag:s4] =	dma.local [hbm:s3], $0xF7A  }
0x26: {  	[smem:$0x3F9C] =	sst s1;
	(tag) =	ssettag s2;
	_ =	strace s9  }
0x27: {  	s1 =	sld [smem:$0x3FAC]  }
0x28: {  	s2 =	sld [smem:$0x3FAD]  }
0x29: {  	s4 =	sld [smem:$0x3FAF]  }
0x2a: {  	p0 =	seq.s32 s5, $0x0;
	s5 =	sld [smem:$0x3FB0]  }
0x2b: {  	s6 =	sld [smem:$0x3FB1]  }
0x2c: {  	s7 =	sld [smem:$0x3FB2]  }
0x2d: {  	s3 =	simm.s32 $0x108;
	s8 =	sld [smem:$0x3FB3]  }
0x2e: {  	s3 =	simm.s32 @!p0 $0x1082;
	s9 =	sld [smem:$0x3FB4]  }
0x2f: {  	lr =	sadd.s32 s0, s3;
	s0 =	sld [smem:$0x3FAB]  }
0x30: {  	s3 =	sld [smem:$0x3FAE]  }
0x31: {  	[smem:$0x3FB7] =	sst s10  }
0x32: {  	s10 =	sld [smem:$0x3FB5];
	_ =	sdelay $0x3  }
0x33: {  	p0 =	seq.s32 s10, $0x1;
	s10 =	sld [smem:$0x3FB7];
	_ =	sdelay $0x3  }
0x34: {  	[smem:$0x3FB7] =	sst s10  }
0x35: {  	s10 =	sld [smem:$0x3FB6];
	_ =	sdelay $0x3  }
0x36: {  	p1 =	seq.s32 s10, $0x1;
	s10 =	sld [smem:$0x3FB7];
	_ =	sdelay $0x3  }
0x37: {  	[smem:$0x3FB7] =	sst s10  }
0x38: {  	s10 =	sld [smem:$0x3FB8]  }
0x39: {  	_ = 	snop;
	(pc) =	sbr.ind lr, $3  }
0x3a: {  	_ = 	snop  }
0x3b: {  	_ = 	snop  }
0x3c: {  	p2 =	seq.s32 s10, $0x1;
	s10 =	sld [smem:$0x3FB7]  }
0x3d: {  	_ =	shalt  }
0x3e: {  	_ =	shalt  }
0x3f: {  	_ =	shalt  }
0x40: {  	_ =	shalt  }
0x41: {  	_ =	shalt  }
0x42: {  	_ =	shalt  }
0x43: {  	_ =	shalt  }
0x44: {  	_ =	shalt  }
0x45: {  	_ =	shalt  }
0x46: {  	_ =	shalt  }
0x47: {  	_ =	shalt  }
0x48: {  	_ =	shalt  }
0x49: {  	_ =	shalt  }
0x4a: {  	_ =	shalt  }
0x4b: {  	_ =	shalt  }
0x4c: {  	_ =	shalt  }
0x4d: {  	_ =	shalt  }
0x4e: {  	_ =	shalt  }
0x4f: {  	_ =	shalt  }
0x50: {  	_ =	shalt  }
0x51: {  	_ =	shalt  }
0x52: {  	_ =	shalt  }
0x53: {  	_ =	shalt  }
0x54: {  	_ =	shalt  }
0x55: {  	_ =	shalt  }
0x56: {  	_ =	shalt  }
0x57: {  	_ =	shalt  }
0x58: {  	_ =	shalt  }
0x59: {  	_ =	shalt  }
0x5a: {  	_ =	shalt  }
0x5b: {  	_ =	shalt  }
0x5c: {  	_ =	shalt  }
0x5d: {  	_ =	shalt  }
0x5e: {  	_ =	shalt  }
0x5f: {  	_ =	shalt  }
0x60: {  	_ =	shalt  }
0x61: {  	_ =	shalt  }
0x62: {  	_ =	shalt  }
0x63: {  	_ =	shalt  }
0x64: {  	_ =	shalt  }
0x65: {  	_ =	shalt  }
0x66: {  	_ =	shalt  }
0x67: {  	_ =	shalt  }
0x68: {  	_ =	shalt  }
0x69: {  	_ =	shalt  }
0x6a: {  	_ =	shalt  }
0x6b: {  	_ =	shalt  }
0x6c: {  	_ =	shalt  }
0x6d: {  	_ =	shalt  }
0x6e: {  	_ =	shalt  }
0x6f: {  	_ =	shalt  }
0x70: {  	_ =	shalt  }
0x71: {  	_ =	shalt  }
0x72: {  	_ =	shalt  }
0x73: {  	_ =	shalt  }
0x74: {  	_ =	shalt  }
0x75: {  	_ =	shalt  }
0x76: {  	_ =	shalt  }
0x77: {  	_ =	shalt  }
0x78: {  	_ =	shalt  }
0x79: {  	_ =	shalt  }
0x7a: {  	_ =	shalt  }
0x7b: {  	_ =	shalt  }
0x7c: {  	_ =	shalt  }
0x7d: {  	_ =	shalt  }
0x7e: {  	_ =	shalt  }
0x7f: {  	_ =	shalt  }
0x80: {  	_ =	shalt  }
0x81: {  	_ =	shalt  }
0x82: {  	_ =	shalt  }
0x83: {  	_ =	shalt  }
0x84: {  	_ =	shalt  }
0x85: {  	_ =	shalt  }
0x86: {  	_ =	shalt  }
0x87: {  	_ =	shalt  }
.Lfunc_end0:
.L_simem_size_0:
called_computation_lowered:
.L_overlay_start_0:
0x88: {  	s2 =	sld [smem:$0x3FD9]  }
0x89: {  	s3 =	sld [smem:$0x3FFE];
	_ =	sdelay $0x1  }
0x8a: {  	s1 =	srdreg.scid  }
0x8b: {  	s0 =	sand.u32 $0x1, s1  }
0x8c: {  	s17 =	sshll.u32 s0, $0xA;
	s2 =	sadd.s32 s3, s2  }
0x8d: {  	s2 =	sadd.s32 s2, s17  }
0x8e: {  	[smem:$0x3FC3] =	sst s2  }
0x8f: {  	_ = 	snop  }
0x90: {  	s2 =	sld [smem:$0x3FD0];
	(tm) =	ssettm $0x1  }
0x91: {  	s18 =	sld [smem:$0x3FFB];
	_ =	sdelay $0x3  }
0x92: {  	_ =	strace s18  }
0x93: {  	s3 =	sld [smem:$0x3FFC];
	_ =	sdelay $0x3  }
0x94: {  	_ =	strace s3  }
0x95: {  	s3 =	sld [smem:$0x3FFD];
	_ =	sdelay $0x3  }
0x96: {  	_ =	strace s3  }
0x97: {  	_ =	strace $0x8FFFFFFF  }
0x98: {  	s19 =	sld [smem:$0x3FDB];
	_ =	sdelay $0x1  }
0x99: {  	s4 =	simm.s32 $_scs_section_size  }
0x9a: {  	s5 =	simm.s32 $_size__tile_overlayer_lowered;
	s6 =	simm.s32 $_tile_overlayer_lowered  }
0x9b: {  	s22 =	simm.s32 $0x1BFF;
	s21 =	sshll.u32 s6, $0x1;
	s3 =	sadd.s32 s4, s19  }
0x9c: {  	s7 =	simm.s32 $0x0;
	s20 =	sshll.u32 s5, $0x1;
	s5 =	sadd.s32 s21, s3  }
0x9d: {  	[timem:s7], [sflag:s22] =	dma.local [hbm:s5], s20  }
0x9e: {  	_ =	swait.ge [sflag:s22], s20  }
0x9f: {  	s4 =	ssub.s32 $0x0, s20;
	[sflag:s22] =	ssyncset.done $0x0  }
0xa0: {  	[sflag:s22] =	ssyncadd.s32 s4;
	_ =	sdelay $0x1  }
0xa1: {  	s23 =	simm.s32 $0x1B8B  }
0xa2: {  	_ =	swait.ge [sflag:s23], $0x1  }
0xa3: {  	[sflag:s23] =	ssyncset.done $0x0  }
0xa4: {  	s25 =	simm.s32 $0x1B8E;
	s24 =	sld [smem:$0x3FFE];
	[sflag:s23] =	ssyncadd.s32 $0xFFFFFFFF  }
0xa5: {  	s26 =	simm.s32 $execute0_lowered;
	[smem:$0x3FD2] =	sst s25  }
0xa6: {  	s5 =	sshll.u32 s26, $0x1;
	_ =	strace $0x80000046;
	[dreg:$0x1] =	wrdreg $0xFFFFFFFF  }
0xa7: {  	s28 =	simm.s32 $_size_execute0_lowered;
	s3 =	sadd.s32 s3, s5;
	[dreg:$0x0] =	wrdreg $0x0  }
0xa8: {  	s5 =	sshll.u32 s28, $0x1;
	[dreg:$0x2] =	wrdreg s3  }
0xa9: {  	[dreg:$0x3] =	wrdreg s5  }
0xaa: {  	[dreg:$0x4] =	wrdreg $0xC0  }
0xab: {  	_ =	task [dreg:s7], $0x5FFFF  }
0xac: {  	[dreg:$0x1] =	wrdreg $0xFFFFFFFF  }
0xad: {  	[dreg:$0x0] =	wrdreg $0x60  }
0xae: {  	[dreg:$0x2] =	wrdreg s24  }
0xaf: {  	[dreg:$0x3] =	wrdreg s2  }
0xb0: {  	[dreg:$0x4] =	wrdreg $0x1D2880  }
0xb1: {  	[dreg:$0x5] =	wrdreg $0x192800  }
0xb2: {  	[dreg:$0x6] =	wrdreg $0x9  }
0xb3: {  	_ =	task.clear_ibuf [dreg:s7], $0x7FFFF;
	_ =	strace $0x90000046  }
0xb4: {  	s29 =	simm.s32 $0x9;
	_ =	strace $0x80000048  }
0xb5: {  	_ =	swait.ge [sflag:s29], $0x1  }
0xb6: {  	[sflag:s29] =	ssyncadd.s32 $0xFFFFFFFF  }
0xb7: {  	_ =	strace $0x90000048  }
0xb8: {  	_ =	sfence  }
0xb9: {  	s30 =	sld [smem:$0x0];
	_ =	sdelay $0x2  }
0xba: {  	s31 =	sshll.u32 s1, $0xD;
	s1 =	sshrl.u32 s1, $0x2  }
0xbb: {  	s3 =	sand.u32 $0x4000, s31;
	s1 =	sadd.s32 s1, s30  }
0xbc: {  	s0 =	sor.u32 s3, s0;
	s1 =	sshll.u32 s1, $0x11  }
0xbd: {  	s0 =	sor.u32 s1, s0  }
0xbe: {  	s0 =	sadd.s32 $0x8F2B, s0  }
0xbf: {  	[sflag:s0] =	ssyncadd.remote.s32 $0x1  }
0xc0: {  	_ =	sfence.sel $0xFFFF  }
0xc1: {  	[dreg:$0x0] =	wrdreg $0xFFFFFFFF;
	(pc) =	sbr.abs _section_cstart, $3  }
0xc2: {  	[dreg:$0x1] =	wrdreg $0xFFFFFFFF  }
0xc3: {  	_ =	task.clear_ibuf [dreg:s7], $0x2FFFF;
	_ =	strace $0x9FFFFFFF  }
0xc4: {  	(tm) =	ssettm $0x7FFFFFFF  }
0xc5: {  	_ =	shalt  }
tec
execute0_lowered:
.L_overlay_start_1:
0x0: {  	(tag) =	ssettag $0x1  }
0x1: {  	s6 =	rddreg [dreg:$0x0]  }
0x2: {  	s9 =	rddreg [dreg:$0x1]  }
0x3: {  	s1 =	rddreg [dreg:$0x2];
	s0 =	stileid.u32  }
0x4: {  	s2 =	srdreg.scid;
	s4 =	rddreg [dreg:$0x3];
	s5 =	simm.s32 $0x0  }
0x5: {  	s14 =	simm.s32 $0x5000;
	s16 =	simm.s32 $0xF000;
	s3 =	smul.u32 $0x5000, s0  }
0x6: {  	s15 =	sand.u32 $0x1, s2;
	s7 =	smul.u32 $0x280, s0;
	s2 =	rddreg [dreg:$0x4]  }
0x7: {  	s17 =	simm.s32 $0x0;
	[smem:$0x7FF] =	sst s5;
	s8 =	smul.u32 $0x2800, s15  }
0x8: {  	_ =	strace $0x80000047;
	s11 =	ssub.s32 $0x2, s15;
	s12 =	smul.u32 $0x50000, s15  }
0x9: {  	v0 =	vmov s15;
	s15 =	simm.s32 $0xA000;
	s10 =	sshrl.u32 s3, $0x3;
	s30 =	sshrl.u32 s11, $0x1  }
0xa: {  	s8 =	sadd.s32 s7, s8;
	s10 =	sadd.s32 s10, s6;
	s12 =	sadd.s32 s3, s12  }
0xb: {  	s11 =	ssub.s32 s11, s30;
	s8 =	sshrl.u32 s8, $0x3;
	s31 =	sshrl.u32 s12, $0x3  }
0xc: {  	s11 =	smax.u32 s11, $0x1;
	s12 =	simm.s32 $0x19000;
	s13 =	sadd.s32 s8, s6  }
0xd: {  	s6 =	sadd.s32 s7, s1;
	s7 =	sadd.s32 $0x1C00, s10;
	s8 =	sadd.s32 $0xBC00, s10  }
0xe: {  	v1 =	vimm.s32 $0x0;
	v2 =	vlaneseq.u32;
	s9 =	sadd.s32 s9, s31;
	s10 =	sadd.s32 $0x15C00, s13;
	s13 =	simm.s32 $0x1  }
.LBB2_1:
0xf: {  	[tilespmem:$0x19000] =	vst v1  }
0x10: {  	[tilespmem:$0x19010] =	vst v1  }
0x11: {  	[tilespmem:$0x19020] =	vst v1  }
0x12: {  	[tilespmem:$0x19030] =	vst v1  }
0x13: {  	[tilespmem:$0x19040] =	vst v1  }
0x14: {  	[tilespmem:$0x19050] =	vst v1  }
0x15: {  	[tilespmem:$0x19060] =	vst v1  }
0x16: {  	[tilespmem:$0x19070] =	vst v1  }
0x17: {  	[tilespmem:$0x19080] =	vst v1  }
0x18: {  	[tilespmem:$0x19090] =	vst v1  }
0x19: {  	[tilespmem:$0x190A0] =	vst v1  }
0x1a: {  	[tilespmem:$0x190B0] =	vst v1  }
0x1b: {  	[tilespmem:$0x190C0] =	vst v1  }
0x1c: {  	[tilespmem:$0x190D0] =	vst v1  }
0x1d: {  	[tilespmem:$0x190E0] =	vst v1  }
0x1e: {  	[tilespmem:$0x190F0] =	vst v1  }
0x1f: {  	[tilespmem:$0x19100] =	vst v1  }
0x20: {  	[tilespmem:$0x19110] =	vst v1  }
0x21: {  	[tilespmem:$0x19120] =	vst v1  }
0x22: {  	[tilespmem:$0x19130] =	vst v1  }
0x23: {  	[tilespmem:$0x19140] =	vst v1  }
0x24: {  	[tilespmem:$0x19150] =	vst v1  }
0x25: {  	[tilespmem:$0x19160] =	vst v1  }
0x26: {  	[tilespmem:$0x19170] =	vst v1  }
0x27: {  	[tilespmem:$0x19180] =	vst v1  }
0x28: {  	[tilespmem:$0x19190] =	vst v1  }
0x29: {  	[tilespmem:$0x191A0] =	vst v1  }
0x2a: {  	[tilespmem:$0x191B0] =	vst v1  }
0x2b: {  	[tilespmem:$0x191C0] =	vst v1  }
0x2c: {  	[tilespmem:$0x191D0] =	vst v1  }
0x2d: {  	[tilespmem:$0x191E0] =	vst v1  }
0x2e: {  	[tilespmem:$0x191F0] =	vst v1  }
0x2f: {  	[tilespmem:$0x19200] =	vst v1  }
0x30: {  	[tilespmem:$0x19210] =	vst v1  }
0x31: {  	[tilespmem:$0x19220] =	vst v1  }
0x32: {  	[tilespmem:$0x19230] =	vst v1  }
0x33: {  	[tilespmem:$0x19240] =	vst v1  }
0x34: {  	[tilespmem:$0x19250] =	vst v1  }
0x35: {  	[tilespmem:$0x19260] =	vst v1  }
0x36: {  	[tilespmem:$0x19270] =	vst v1  }
0x37: {  	[spmem:s6] =	stream.linear.scatter [tilespmem:s12], [sflag:$0x1], $0x280, $0x38;
	[tilespmem:$0x1D508] =	vst v63  }
0x38: {  	_ =	swait.ge [sflag:s13], $0x280  }
0x39: {  	[sflag:s13] =	ssyncset.done $0x0  }
0x3a: {  	[sflag:s13] =	ssyncadd.s32 $0xFFFFFD80  }
0x3b: {  	[tilespmem:s5], [sflag:$0x1] =	stream.linear.gather [hbm4b:s7+s5], $0x5000, $0x38;
	[tilespmem:$0x1D508] =	vst v63  }
0x3c: {  	_ =	swait.ge [sflag:s13], $0x5000  }
0x3d: {  	[sflag:s13] =	ssyncset.done $0x0  }
0x3e: {  	[sflag:s13] =	ssyncadd.s32 $0xFFFFB000  }
0x3f: {  	[tilespmem:s14], [sflag:$0x1] =	stream.linear.gather [hbm4b:s8+s5], $0x5000, $0x38;
	[tilespmem:$0x1D508] =	vst v63  }
0x40: {  	_ =	swait.ge [sflag:s13], $0x5000  }
0x41: {  	[sflag:s13] =	ssyncset.done $0x0  }
0x42: {  	s18 =	simm.s32 $0x0;
	[sflag:s13] =	ssyncadd.s32 $0xFFFFB000  }
0x43: {  	v3 =	vld [tilespmem:s18+$0x0]  }
0x44: {  	v4 =	vld [tilespmem:s18+$0x5000];
	_ =	sdelay $0x4  }
0x45: {  	v5 =	vmul.u32 $0x2710, v3;
	v3 =	vshll.u32 v3, $0x10;
	v6 =	vshrl.u32 v4, $0x1  }
0x46: {  	v7 =	vor.u32 s3, v2;
	v3 =	vadd.s32 v4, v3;
	v6 =	vand.u32 $0x1, v6  }
0x47: {  	[tilespmem:s18+$0x14000] =	vst v7;
	v4 =	vadd.s32 v4, v5;
	v5 =	vmov s3;
	vm1 =	veq.s32 v6, v0  }
0x48: {  	s20 =	simm.s32 $0x40;
	s21 =	simm.s32 $0x80;
	s19 =	smov.u32 s3;
	[tilespmem:s18+$0x0] =	vst v3;
	vm0 =	vlt.u32 v5, $0x4E200;
	v3 =	vnsel vm1, $0x8000002, v4  }
.LBB2_2:
0x49: {  	s22 =	sshra.s32 s20, $0x2  }
0x4a: {  	v3 =	vnsel vm0, $0x8000001, v3;
	s19 =	sadd.s32 $0x10, s19;
	s20 =	smov.u32 s21;
	s23 =	sadd.s32 $0x40, s21  }
0x4b: {  	p0 =	sne.s32 s21, $0x13FC0;
	v4 =	vld [tilespmem:s22+$0x0];
	v5 =	vor.u32 s19, v2;
	[tilespmem:s18+$0x5000] =	vst v3;
	s18 =	smov.u32 s22  }
0x4c: {  	v3 =	vld [tilespmem:s18+$0x5000];
	[tilespmem:s18+$0x14000] =	vst v5;
	_ =	sdelay $0x3  }
.Ltmp0:
0x4d: {  	v5 =	vmul.u32 $0x2710, v4;
	v4 =	vshll.u32 v4, $0x10;
	(pc) =	sbr.rel @p0 .LBB2_2-.Ltmp0, $4  }
0x4e: {  	v6 =	vshrl.u32 v3, $0x1;
	v4 =	vadd.s32 v3, v4  }
0x4f: {  	v3 =	vadd.s32 v3, v5;
	v5 =	vand.u32 $0x1, v6;
	v6 =	vmov s19;
	[tilespmem:s18+$0x0] =	vst v4  }
0x50: {  	vm1 =	veq.s32 v5, v0;
	vm0 =	vlt.u32 v6, $0x4E200  }
0x51: {  	s21 =	smov.u32 s23;
	v3 =	vnsel vm1, $0x8000002, v3  }
0x52: {  	s20 =	sshra.s32 s20, $0x2;
	v3 =	vnsel vm0, $0x8000001, v3  }
0x53: {  	v4 =	vld [tilespmem:s20+$0x0];
	[tilespmem:s18+$0x5000] =	vst v3  }
0x54: {  	v3 =	vld [tilespmem:s20+$0x5000];
	_ =	sdelay $0x4  }
0x55: {  	s31 =	sadd.s32 $0x10, s19;
	v5 =	vmul.u32 $0x2710, v4;
	v6 =	vshrl.u32 v3, $0x1  }
0x56: {  	v7 =	vor.u32 s31, v2;
	v4 =	vshll.u32 v4, $0x10;
	v6 =	vand.u32 $0x1, v6  }
0x57: {  	v5 =	vadd.s32 v3, v5;
	vm15 =	veq.s32 v6, v0;
	v6 =	vmov s31  }
0x58: {  	[tilespmem:s20+$0x14000] =	vst v7;
	v3 =	vadd.s32 v3, v4;
	vm1 =	vlt.u32 v6, $0x4E200;
	v4 =	vnsel vm15, $0x8000002, v5  }
0x59: {  	[tilespmem:s20+$0x0] =	vst v3;
	v3 =	vnsel vm1, $0x8000001, v4  }
0x5a: {  	[tilespmem:s20+$0x5000] =	vst v3  }
0x5b: {  	s18 =	simm.s32 $0x0;
	[bflag:$0x0] =	sbarrier.arrive $0xFFFF  }
0x5c: {  	v3 =	vld [tilespmem:s18+$0x5000]  }
0x5d: {  	v4 =	vld [tilespmem:s18+$0x14000];
	_ =	sdelay $0x2  }
0x5e: {  	s19 =	simm.s32 $0x40  }
.LBB2_4:
0x5f: {  	s20 =	sshra.s32 s19, $0x2;
	p0 =	sne.s32 s19, $0x13FC0;
	s19 =	sadd.s32 $0x40, s19;
	v5 =	vmul.u32 $0x2C3365D, v3;
	v6 =	vshll.u32 v3, $0x5;
	v7 =	vmov v3  }
.Ltmp1:
0x60: {  	v3 =	vld [tilespmem:s20+$0x5000];
	v8 =	vand.u32 $0x1F, v4;
	(pc) =	sbr.rel @p0 .LBB2_4-.Ltmp1, $4  }
0x61: {  	v4 =	vld [tilespmem:s20+$0x14000];
	v5 =	vshrl.u32 v5, $0x8;
	v6 =	vor.u32 v6, v8  }
0x62: {  	vm0 =	vlt.s32 v7, $0x8000000;
	v5 =	vand.u32 $0x3FFFF, v5;
	[tilespmem:s18+$0xF000] =	vst v6  }
0x63: {  	v5 =	vnsel vm0, $0x40000, v5  }
0x64: {  	[tilespmem:s18+$0xA000] =	vst v5;
	s18 =	smov.u32 s20  }
0x65: {  	v5 =	vmul.u32 $0x2C3365D, v3;
	_ =	sdelay $0x1  }
0x66: {  	v6 =	vshll.u32 v3, $0x5;
	v4 =	vand.u32 $0x1F, v4;
	v5 =	vshrl.u32 v5, $0x8  }
0x67: {  	vm0 =	vlt.s32 v3, $0x8000000;
	v4 =	vor.u32 v6, v4;
	v5 =	vand.u32 $0x3FFFF, v5  }
0x68: {  	[tilespmem:s18+$0xF000] =	vst v4;
	v3 =	vnsel vm0, $0x40000, v5  }
0x69: {  	[tilespmem:s18+$0xA000] =	vst v3  }
0x6a: {  	[spmem:s4] =	stream.indirect.scatter [tilespmem:s16], [sflag:$0x1], $0x1, s15, s14, $0xb8;
	[tilespmem:$0x1D508] =	vst v63  }
0x6b: {  	_ =	swait.ge [sflag:s13], $0x5000  }
0x6c: {  	[sflag:s13] =	ssyncset.done $0x0  }
0x6d: {  	[sflag:s13] =	ssyncadd.s32 $0xFFFFB000  }
0x6e: {  	[bflag:$0x0] =	sbarrier.arrive $0xFFFF  }
0x6f: {  	[tilespmem:s16], [sflag:$0x1] =	stream.indirect.gather [spmem:s4], $0x1, s15, s14, $0xb8;
	[tilespmem:$0x1D508] =	vst v63  }
0x70: {  	_ =	swait.ge [sflag:s13], $0x5000  }
0x71: {  	[sflag:s13] =	ssyncset.done $0x0  }
0x72: {  	s18 =	simm.s32 $0x0;
	[sflag:s13] =	ssyncadd.s32 $0xFFFFB000  }
0x73: {  	s19 =	simm.s32 $0x40;
	v3 =	vld [tilespmem:s18+$0x14000]  }
.LBB2_6:
0x74: {  	p0 =	sne.s32 s19, $0x13FC0;
	v4 =	vld [tilespmem:s18+$0x5000];
	_ =	sdelay $0x1  }
0x75: {  	v5 =	vld [tilespmem:s18+$0xF000];
	_ =	sdelay $0x2  }
0x76: {  	v3 =	vand.u32 $0x1F, v3;
	v6 =	vshll.u32 v4, $0x5  }
0x77: {  	v3 =	vor.u32 v6, v3  }
.Ltmp2:
0x78: {  	vm0 =	vlt.s32 v4, $0x8000000;
	v6 =	vshrl.u32 v5, $0x5;
	vm1 =	veq.s32 v5, v3;
	(pc) =	sbr.rel @p0 .LBB2_6-.Ltmp2, $4  }
0x79: {  	vm2 =	vne.s32 v6, v4;
	vm0 =	vmand vm0, vm1  }
0x7a: {  	vm1 =	vmor vm2, vm1;
	v3 =	vsel vm0, $0x8000000, v4  }
0x7b: {  	s20 =	sshra.s32 s19, $0x2;
	v4 =	vnsel vm1, $0x8000001, v3  }
0x7c: {  	s19 =	sadd.s32 $0x40, s19;
	v3 =	vld [tilespmem:s20+$0x14000];
	[tilespmem:s18+$0x5000] =	vst v4;
	s18 =	smov.u32 s20  }
0x7d: {  	v4 =	vld [tilespmem:s18+$0x5000];
	_ =	sdelay $0x1  }
0x7e: {  	v5 =	vld [tilespmem:s18+$0xF000];
	_ =	sdelay $0x2  }
0x7f: {  	v3 =	vand.u32 $0x1F, v3;
	v6 =	vshll.u32 v4, $0x5  }
0x80: {  	v3 =	vor.u32 v6, v3  }
0x81: {  	vm0 =	vlt.s32 v4, $0x8000000;
	v6 =	vshrl.u32 v5, $0x5;
	vm1 =	veq.s32 v5, v3  }
0x82: {  	vm2 =	vne.s32 v6, v4;
	vm0 =	vmand vm0, vm1  }
0x83: {  	vm1 =	vmor vm2, vm1;
	v3 =	vsel vm0, $0x8000000, v4  }
0x84: {  	v3 =	vnsel vm1, $0x8000001, v3  }
0x85: {  	[tilespmem:s18+$0x5000] =	vst v3  }
0x86: {  	s18 =	simm.s32 $0x0;
	[bflag:$0x0] =	sbarrier.arrive $0xFFFF  }
0x87: {  	v3 =	vld [tilespmem:s18+$0x5000]  }
0x88: {  	v4 =	vld [tilespmem:s18+$0x14000];
	_ =	sdelay $0x2  }
0x89: {  	s19 =	simm.s32 $0x40  }
.LBB2_8:
0x8a: {  	s20 =	sshra.s32 s19, $0x2;
	p0 =	sne.s32 s19, $0x13FC0;
	s19 =	sadd.s32 $0x40, s19;
	v5 =	vmul.u32 $0x298218C, v3;
	v6 =	vshll.u32 v3, $0x5;
	v7 =	vmov v3  }
.Ltmp3:
0x8b: {  	v3 =	vld [tilespmem:s20+$0x5000];
	v8 =	vand.u32 $0x1F, v4;
	(pc) =	sbr.rel @p0 .LBB2_8-.Ltmp3, $4  }
0x8c: {  	v4 =	vld [tilespmem:s20+$0x14000];
	v5 =	vshrl.u32 v5, $0x8;
	v6 =	vor.u32 v6, v8  }
0x8d: {  	vm0 =	vlt.s32 v7, $0x8000000;
	v5 =	vand.u32 $0x3FFFF, v5;
	[tilespmem:s18+$0xF000] =	vst v6  }
0x8e: {  	v5 =	vnsel vm0, $0x40000, v5  }
0x8f: {  	[tilespmem:s18+$0xA000] =	vst v5;
	s18 =	smov.u32 s20  }
0x90: {  	v5 =	vmul.u32 $0x298218C, v3;
	_ =	sdelay $0x1  }
0x91: {  	v6 =	vshll.u32 v3, $0x5;
	v4 =	vand.u32 $0x1F, v4;
	v5 =	vshrl.u32 v5, $0x8  }
0x92: {  	vm0 =	vlt.s32 v3, $0x8000000;
	v4 =	vor.u32 v6, v4;
	v5 =	vand.u32 $0x3FFFF, v5  }
0x93: {  	[tilespmem:s18+$0xF000] =	vst v4;
	v3 =	vnsel vm0, $0x40000, v5  }
0x94: {  	[tilespmem:s18+$0xA000] =	vst v3  }
0x95: {  	[spmem:s4] =	stream.indirect.scatter [tilespmem:s16], [sflag:$0x1], $0x1, s15, s14, $0xb8;
	[tilespmem:$0x1D508] =	vst v63  }
0x96: {  	_ =	swait.ge [sflag:s13], $0x5000  }
0x97: {  	[sflag:s13] =	ssyncset.done $0x0  }
0x98: {  	[sflag:s13] =	ssyncadd.s32 $0xFFFFB000  }
0x99: {  	[bflag:$0x0] =	sbarrier.arrive $0xFFFF  }
0x9a: {  	[tilespmem:s16], [sflag:$0x1] =	stream.indirect.gather [spmem:s4], $0x1, s15, s14, $0xb8;
	[tilespmem:$0x1D508] =	vst v63  }
0x9b: {  	_ =	swait.ge [sflag:s13], $0x5000  }
0x9c: {  	[sflag:s13] =	ssyncset.done $0x0  }
0x9d: {  	s18 =	simm.s32 $0x0;
	[sflag:s13] =	ssyncadd.s32 $0xFFFFB000  }
0x9e: {  	s19 =	simm.s32 $0x40;
	v3 =	vld [tilespmem:s18+$0x14000]  }
.LBB2_10:
0x9f: {  	p0 =	sne.s32 s19, $0x13FC0;
	v4 =	vld [tilespmem:s18+$0x5000];
	_ =	sdelay $0x1  }
0xa0: {  	v5 =	vld [tilespmem:s18+$0xF000];
	_ =	sdelay $0x2  }
0xa1: {  	v3 =	vand.u32 $0x1F, v3;
	v6 =	vshll.u32 v4, $0x5  }
0xa2: {  	v3 =	vor.u32 v6, v3  }
.Ltmp4:
0xa3: {  	vm0 =	vlt.s32 v4, $0x8000000;
	v6 =	vshrl.u32 v5, $0x5;
	vm1 =	veq.s32 v5, v3;
	(pc) =	sbr.rel @p0 .LBB2_10-.Ltmp4, $4  }
0xa4: {  	vm2 =	vne.s32 v6, v4;
	vm0 =	vmand vm0, vm1  }
0xa5: {  	vm1 =	vmor vm2, vm1;
	v3 =	vsel vm0, $0x8000000, v4  }
0xa6: {  	s20 =	sshra.s32 s19, $0x2;
	v4 =	vnsel vm1, $0x8000001, v3  }
0xa7: {  	s19 =	sadd.s32 $0x40, s19;
	v3 =	vld [tilespmem:s20+$0x14000];
	[tilespmem:s18+$0x5000] =	vst v4;
	s18 =	smov.u32 s20  }
0xa8: {  	v4 =	vld [tilespmem:s18+$0x5000];
	_ =	sdelay $0x1  }
0xa9: {  	v5 =	vld [tilespmem:s18+$0xF000];
	_ =	sdelay $0x2  }
0xaa: {  	v3 =	vand.u32 $0x1F, v3;
	v6 =	vshll.u32 v4, $0x5  }
0xab: {  	v3 =	vor.u32 v6, v3  }
0xac: {  	vm0 =	vlt.s32 v4, $0x8000000;
	v6 =	vshrl.u32 v5, $0x5;
	vm1 =	veq.s32 v5, v3  }
0xad: {  	vm2 =	vne.s32 v6, v4;
	vm0 =	vmand vm0, vm1  }
0xae: {  	vm1 =	vmor vm2, vm1;
	v3 =	vsel vm0, $0x8000000, v4  }
0xaf: {  	v3 =	vnsel vm1, $0x8000001, v3  }
0xb0: {  	[tilespmem:s18+$0x5000] =	vst v3  }
0xb1: {  	s19 =	simm.s32 $0x0;
	[bflag:$0x0] =	sbarrier.arrive $0xFFFF  }
0xb2: {  	v3 =	vld [tilespmem:s19+$0x0];
	_ =	sdelay $0x2  }
0xb3: {  	v5 =	vld [tilespmem:s19+$0x14000];
	_ =	sdelay $0x1  }
0xb4: {  	v4 =	vshrl.u32 v3, $0x10  }
0xb5: {  	s18 =	simm.s32 $0x10;
	v6 =	vmul.u32 $0x2710, v4  }
0xb6: {  	v3 =	vand.u32 $0xFFFF, v3;
	v4 =	vld [tilespmem:s18+$0x0]  }
0xb7: {  	v5 =	vshrl.u32 v5, $0x5;
	v6 =	vadd.s32 v3, v6;
	v3 =	vld [tilespmem:s19+$0x5000]  }
0xb8: {  	v7 =	vand.u32 $0x1F, v5;
	v5 =	vld [tilespmem:s18+$0x14000]  }
0xb9: {  	v8 =	vshll.u32 v6, $0x5;
	v6 =	vmul.u32 $0xB2B09D, v6  }
0xba: {  	s20 =	simm.s32 $0x80;
	v7 =	vor.u32 v7, v8  }
.LBB2_12:
0xbb: {  	s21 =	sshra.s32 s20, $0x2;
	p0 =	sne.s32 s20, $0x13FC0;
	s20 =	sadd.s32 $0x40, s20;
	v8 =	vshrl.u32 v4, $0x10;
	v6 =	vshrl.u32 v6, $0x8;
	[tilespmem:s19+$0xF000] =	vst v7;
	v7 =	vmov v4  }
.Ltmp5:
0xbc: {  	v4 =	vld [tilespmem:s21+$0x0];
	v8 =	vmul.u32 $0x2710, v8;
	v6 =	vand.u32 $0x3FFFF, v6;
	vm0 =	vlt.s32 v3, $0x8000001;
	(pc) =	sbr.rel @p0 .LBB2_12-.Ltmp5, $4  }
0xbd: {  	v7 =	vand.u32 $0xFFFF, v7;
	v3 =	vld [tilespmem:s18+$0x5000];
	v9 =	vshrl.u32 v5, $0x5;
	v6 =	vnsel vm0, $0x40000, v6  }
0xbe: {  	v5 =	vld [tilespmem:s21+$0x14000];
	v7 =	vadd.s32 v7, v8;
	v8 =	vand.u32 $0x1F, v9;
	[tilespmem:s19+$0xA000] =	vst v6;
	s19 =	smov.u32 s18;
	s18 =	smov.u32 s21  }
0xbf: {  	v6 =	vmul.u32 $0xB2B09D, v7;
	v7 =	vshll.u32 v7, $0x5  }
0xc0: {  	v7 =	vor.u32 v8, v7  }
0xc1: {  	v8 =	vshrl.u32 v4, $0x10  }
0xc2: {  	[tilespmem:s19+$0xF000] =	vst v7;
	v7 =	vmul.u32 $0x2710, v8  }
0xc3: {  	v4 =	vand.u32 $0xFFFF, v4;
	v8 =	vld [tilespmem:s18+$0x5000]  }
0xc4: {  	v6 =	vshrl.u32 v6, $0x8;
	v4 =	vadd.s32 v4, v7  }
0xc5: {  	v6 =	vand.u32 $0x3FFFF, v6;
	vm0 =	vlt.s32 v3, $0x8000001;
	v3 =	vmul.u32 $0xB2B09D, v4  }
0xc6: {  	v5 =	vshrl.u32 v5, $0x5;
	v6 =	vnsel vm0, $0x40000, v6  }
0xc7: {  	v5 =	vand.u32 $0x1F, v5;
	v4 =	vshll.u32 v4, $0x5;
	v3 =	vshrl.u32 v3, $0x8  }
0xc8: {  	[tilespmem:s19+$0xA000] =	vst v6;
	v4 =	vor.u32 v5, v4;
	vm15 =	vlt.s32 v8, $0x8000001;
	v3 =	vand.u32 $0x3FFFF, v3  }
0xc9: {  	[tilespmem:s18+$0xF000] =	vst v4;
	v3 =	vnsel vm15, $0x40000, v3  }
0xca: {  	[tilespmem:s18+$0xA000] =	vst v3  }
0xcb: {  	[spmem:s4] =	stream.indirect.scatter [tilespmem:s16], [sflag:$0x1], $0x1, s15, s14, $0xb8;
	[tilespmem:$0x1D508] =	vst v63  }
0xcc: {  	_ =	swait.ge [sflag:s13], $0x5000  }
0xcd: {  	[sflag:s13] =	ssyncset.done $0x0  }
0xce: {  	[sflag:s13] =	ssyncadd.s32 $0xFFFFB000  }
0xcf: {  	[bflag:$0x0] =	sbarrier.arrive $0xFFFF  }
0xd0: {  	[tilespmem:s16], [sflag:$0x1] =	stream.indirect.gather [spmem:s4], $0x1, s15, s14, $0xb8;
	[tilespmem:$0x1D508] =	vst v63  }
0xd1: {  	_ =	swait.ge [sflag:s13], $0x5000  }
0xd2: {  	[sflag:s13] =	ssyncset.done $0x0  }
0xd3: {  	s19 =	simm.s32 $0x0;
	[sflag:s13] =	ssyncadd.s32 $0xFFFFB000  }
0xd4: {  	v3 =	vld [tilespmem:s19+$0x0];
	_ =	sdelay $0x3  }
0xd5: {  	v6 =	vld [tilespmem:s19+$0x14000]  }
0xd6: {  	v4 =	vshrl.u32 v3, $0x10  }
0xd7: {  	v5 =	vmul.u32 $0x2710, v4;
	v4 =	vld [tilespmem:s19+$0xF000]  }
0xd8: {  	v7 =	vand.u32 $0xFFFF, v3;
	v3 =	vld [tilespmem:s19+$0x5000];
	_ =	sdelay $0x1  }
0xd9: {  	s20 =	simm.s32 $0x80;
	s18 =	simm.s32 $0x10;
	v6 =	vshrl.u32 v6, $0x5;
	v5 =	vadd.s32 v7, v5  }
.LBB2_14:
0xda: {  	p0 =	sne.s32 s20, $0x13FC0;
	v7 =	vld [tilespmem:s18+$0x0];
	v8 =	vshll.u32 v5, $0x5;
	v6 =	vand.u32 $0x1F, v6  }
0xdb: {  	v6 =	vor.u32 v6, v8;
	v8 =	vshrl.u32 v4, $0x5  }
0xdc: {  	vm0 =	vne.s32 v4, v6;
	vm1 =	veq.s32 v8, v5;
	vm2 =	vgt.s32 v3, $0x8000001  }
0xdd: {  	v6 =	vld [tilespmem:s18+$0x14000];
	vm0 =	vmand vm0, vm1;
	v4 =	vnsel vm2, $0x8000001, v3  }
.Ltmp6:
0xde: {  	v3 =	vsel vm0, v4, v3;
	(pc) =	sbr.rel @p0 .LBB2_14-.Ltmp6, $4  }
0xdf: {  	v5 =	vshrl.u32 v7, $0x10;
	v4 =	vld [tilespmem:s18+$0xF000];
	[tilespmem:s19+$0x5000] =	vst v3;
	s19 =	smov.u32 s18  }
0xe0: {  	v3 =	vld [tilespmem:s19+$0x5000];
	v5 =	vmul.u32 $0x2710, v5  }
0xe1: {  	v7 =	vand.u32 $0xFFFF, v7  }
0xe2: {  	s18 =	sshra.s32 s20, $0x2;
	s20 =	sadd.s32 $0x40, s20;
	v5 =	vadd.s32 v7, v5;
	v6 =	vshrl.u32 v6, $0x5  }
0xe3: {  	v7 =	vld [tilespmem:s18+$0x0];
	v8 =	vshll.u32 v5, $0x5;
	v6 =	vand.u32 $0x1F, v6  }
0xe4: {  	v6 =	vor.u32 v6, v8;
	v61 =	vshrl.u32 v4, $0x5  }
0xe5: {  	vm0 =	vne.s32 v4, v6;
	vm1 =	veq.s32 v61, v5;
	vm2 =	vgt.s32 v3, $0x8000001  }
0xe6: {  	v4 =	vld [tilespmem:s18+$0x14000];
	vm0 =	vmand vm0, vm1;
	v5 =	vnsel vm2, $0x8000001, v3  }
0xe7: {  	v3 =	vsel vm0, v5, v3  }
0xe8: {  	v5 =	vld [tilespmem:s18+$0xF000];
	v62 =	vshrl.u32 v7, $0x10;
	[tilespmem:s19+$0x5000] =	vst v3  }
0xe9: {  	v3 =	vld [tilespmem:s18+$0x5000];
	v6 =	vmul.u32 $0x2710, v62  }
0xea: {  	v7 =	vand.u32 $0xFFFF, v7  }
0xeb: {  	v4 =	vshrl.u32 v4, $0x5;
	v6 =	vadd.s32 v7, v6  }
0xec: {  	v4 =	vand.u32 $0x1F, v4;
	v7 =	vshll.u32 v6, $0x5  }
0xed: {  	v63 =	vshrl.u32 v5, $0x5;
	v4 =	vor.u32 v4, v7  }
0xee: {  	vm13 =	veq.s32 v63, v6;
	vm12 =	vne.s32 v5, v4;
	vm14 =	vgt.s32 v3, $0x8000001  }
0xef: {  	vm0 =	vmand vm12, vm13;
	v4 =	vnsel vm14, $0x8000001, v3  }
0xf0: {  	v3 =	vsel vm0, v4, v3  }
0xf1: {  	[tilespmem:s18+$0x5000] =	vst v3  }
0xf2: {  	s18 =	simm.s32 $0x0;
	[bflag:$0x0] =	sbarrier.arrive $0xFFFF  }
0xf3: {  	v3 =	vld [tilespmem:s18+$0x5000]  }
0xf4: {  	v4 =	vld [tilespmem:s18+$0x0];
	_ =	sdelay $0x3  }
0xf5: {  	v3 =	vadd.s32 $0xF7FFFFFD, v3  }
0xf6: {  	vm15 =	vlt.u32 v3, $0xFFFFFFFE;
	v3 =	vshrl.u32 v4, $0x10  }
0xf7: {  	v4 =	vsel vm15, $0x1, v1;
	[tilespmem:s18+$0xA000] =	vst v3  }
0xf8: {  	s20 =	simm.s32 $0x10;
	s19 =	simm.s32 $0x80;
	v3 =	vnsel vm15, $0x27FF, v3;
	[tilespmem:s18+$0x5000] =	vst v4  }
.LBB2_16:
0xf9: {  	p0 =	sne.s32 s19, $0x13FC0;
	v4 =	vld [tilespmem:s20+$0x5000];
	[tilespmem:s18+$0x0] =	vst v3;
	s18 =	smov.u32 s20  }
0xfa: {  	v3 =	vld [tilespmem:s18+$0x0];
	_ =	sdelay $0x2  }
.Ltmp7:
0xfb: {  	(pc) =	sbr.rel @p0 .LBB2_16-.Ltmp7, $4  }
0xfc: {  	v4 =	vadd.s32 $0xF7FFFFFD, v4  }
0xfd: {  	vm0 =	vlt.u32 v4, $0xFFFFFFFE;
	v3 =	vshrl.u32 v3, $0x10  }
0xfe: {  	v4 =	vsel vm0, $0x1, v1;
	[tilespmem:s18+$0xA000] =	vst v3;
	v3 =	vnsel vm0, $0x27FF, v3  }
0xff: {  	s20 =	sshra.s32 s19, $0x2;
	s19 =	sadd.s32 $0x40, s19;
	[tilespmem:s18+$0x5000] =	vst v4  }
0x100: {  	v4 =	vld [tilespmem:s20+$0x5000];
	[tilespmem:s18+$0x0] =	vst v3  }
0x101: {  	v3 =	vld [tilespmem:s20+$0x0];
	_ =	sdelay $0x3  }
0x102: {  	v4 =	vadd.s32 $0xF7FFFFFD, v4  }
0x103: {  	vm0 =	vlt.u32 v4, $0xFFFFFFFE;
	v3 =	vshrl.u32 v3, $0x10  }
0x104: {  	v4 =	vsel vm0, $0x1, v1;
	[tilespmem:s20+$0xA000] =	vst v3  }
0x105: {  	v3 =	vnsel vm0, $0x27FF, v3;
	[tilespmem:s20+$0x5000] =	vst v4  }
0x106: {  	[tilespmem:s20+$0x0] =	vst v3  }
0x107: {  	[spmem:s1] =	stream.indirect.scatter.add.s32 [tilespmem:s14], [sflag:$0x1], $0x1, s15, s14, $0xb8;
	[tilespmem:$0x1D508] =	vst v63  }
0x108: {  	_ =	swait.ge [sflag:s13], $0x5000  }
0x109: {  	[sflag:s13] =	ssyncset.done $0x0  }
0x10a: {  	[sflag:s13] =	ssyncadd.s32 $0xFFFFB000  }
0x10b: {  	[hbm4b:s9+s5] =	stream.linear.scatter [tilespmem:s5], [sflag:$0x1], $0x5000, $0x38;
	[tilespmem:$0x1D508] =	vst v63  }
0x10c: {  	_ =	swait.ge [sflag:s13], $0x5000  }
0x10d: {  	s31 =	sshll.u32 s0, $0x6;
	s17 =	sadd.s32 $0x1, s17;
	[sflag:s13] =	ssyncset.done $0x0  }
0x10e: {  	s19 =	sshrl.u32 s6, $0x3;
	p0 =	sne.s32 s17, s11;
	[sflag:s13] =	ssyncadd.s32 $0xFFFFB000  }
.Ltmp8:
0x10f: {  	s18 =	sor.u32 $0x1C01, s31;
	[bflag:$0x0] =	sbarrier.arrive $0xFFFF;
	(pc) =	sbr.rel @p0 .LBB2_1-.Ltmp8, $4  }
0x110: {  	[hbm:s10], [sflag:s18] =	dma.local [spmem:s19], $0x50  }
0x111: {  	_ =	swait.ge [sflag:s13], $0x50  }
0x112: {  	[sflag:s13] =	ssyncset.done $0x0  }
0x113: {  	[sflag:s13] =	ssyncadd.s32 $0xFFFFFFB0  }
0x114: {  	_ =	sfence.sel $0x180000  }
0x115: {  	[bflag:$0x0] =	sbarrier.arrive $0xFFFF  }
0x116: {  	p0 =	sne.s32 s0, $0x0;
	_ =	strace $0x90000047  }
0x117: {  	s0 =	sadd.s32 @!p0 $0x100000, s2;
	[bflag:$0x2] =	sbarrier.arrive $0xFFFF  }
0x118: {  	[sflag:s0] =	ssyncadd.tile.s32 @!p0 $0x1;
	_ =	shalt  }
.Lfunc_end2:
_tile_overlayer_lowered:
.L_overlay_start_2:
0x119: {  	(tag) =	ssettag $0x2  }
0x11a: {  	s0 =	rddreg [dreg:$0x0];
	s2 =	stileid.u32  }
0x11b: {  	s1 =	rddreg [dreg:$0x1];
	p0 =	sne.s32 s2, $0x0  }
0x11c: {  	s3 =	rddreg [dreg:$0x2];
	[bflag:$0x3] =	sbarrier.arrive $0xFFFF;
	s2 =	simm.s32 @!p0 $0x1C01  }
0x11d: {  	[timem:s3], [sflag:s2] =	dma.local @!p0 [hbm:s0], s1  }
0x11e: {  	s0 =	simm.s32 @!p0 $0x1  }
0x11f: {  	_ =	swait.ge @!p0 [sflag:s0], s1  }
0x120: {  	s1 =	ssub.s32 @!p0 $0x0, s1;
	[sflag:s0] =	ssyncset.done @!p0 $0x0  }
0x121: {  	[sflag:s0] =	ssyncadd.s32 @!p0 s1  }
0x122: {  	[bflag:$0x3] =	sbarrier.arrive $0xFFFF  }
0x123: {  	_ =	shalt  }

// kernel: kernel.9.cloned.1.call-start
scs
__scs_entry_jumppad:
0x0: {  	(pc) =	sbr.rel $0x88, $3  }
0x1: {  	(tag) =	ssettag $0x0;
	lr =	simm.s32 $0x1  }
0x2: {  	[smem:$0x3F9C] =	sst lr;
	_ =	strace $0xD0000000  }
0x3: {  	_ = 	snop  }
0x4: {  	_ = 	snop  }
0x5: {  	_ = 	snop  }
0x6: {  	_ = 	snop  }
0x7: {  	_ = 	snop  }
__scs_overlays_trampoline_lowered:
0x8: {  	[smem:$0x3FAB] =	sst s0  }
0x9: {  	[smem:$0x3FAC] =	sst s1  }
0xa: {  	[smem:$0x3FAD] =	sst s2  }
0xb: {  	[smem:$0x3FAE] =	sst s3  }
0xc: {  	[smem:$0x3FAF] =	sst s4  }
0xd: {  	[smem:$0x3FB0] =	sst s5  }
0xe: {  	[smem:$0x3FB1] =	sst s6  }
0xf: {  	[smem:$0x3FB2] =	sst s7  }
0x10: {  	[smem:$0x3FB3] =	sst s8  }
0x11: {  	[smem:$0x3FB4] =	sst s9;
	s0 =	simm.s32 @!p0 $0x0  }
0x12: {  	s1 =	sld [smem:$0x3F9A];
	s0 =	simm.s32 @p0 $0x1  }
0x13: {  	[smem:$0x3FB5] =	sst s0;
	s0 =	simm.s32 @!p1 $0x0  }
0x14: {  	s2 =	sld [smem:$0x3F99];
	s0 =	simm.s32 @p1 $0x1  }
0x15: {  	[smem:$0x3FB6] =	sst s0;
	s0 =	simm.s32 @!p2 $0x0  }
0x16: {  	s3 =	sld [smem:$0x3FDB];
	s0 =	simm.s32 @p2 $0x1  }
0x17: {  	s4 =	simm.s32 $0x1BF5;
	[smem:$0x3FB8] =	sst s0  }
0x18: {  	s0 =	sld [smem:$0x3F9B];
	_ =	swait.ge [sflag:s4], $0x0  }
0x19: {  	s7 =	sld [smem:$0x3F9C]  }
0x1a: {  	s8 =	sadd.s32 $0xFFFFE003, lr  }
0x1b: {  	s9 =	sadd.s32 $0xFFFFFEF7, lr;
	s5 =	simm.s32 $0xFFFFFFFF;
	p2 =	slt.u32 s8, $0xFFFFF086  }
0x1c: {  	p1 =	slt.u32 s9, $0xF7A;
	s5 =	simm.s32 @!p2 $0x0  }
0x1d: {  	s5 =	simm.s32 @p1 $0x1;
	p0 =	seq.s32 s7, s2  }
0x1e: {  	s7 =	smul.u32 @!p0 $0xF7A, s2;
	p2 =	seq.s32 @!p0 s5, $0x0  }
0x1f: {  	s9 =	smul.u32 $0xF7A, s1;
	s8 =	simm.s32 @!p0 $0x1BF5;
	p2 =	por !p2, p0  }
0x20: {  	[sflag:s8] =	ssyncset.s32 @!p0 $0xFFFFF086;
	s6 =	sadd.s32 @!p0 s3, s7;
	s7 =	simm.s32 @!p0 $0x108  }
0x21: {  	s3 =	sadd.s32 s3, s9;
	s6 =	sadd.s32 @!p0 $0x88, s6;
	s7 =	simm.s32 @p2 $0x1082  }
0x22: {  	[simem:s7], [sflag:s8] =	dma.local @!p0 [hbm:s6], $0xF7A  }
0x23: {  	s9 =	sor.u32 $0xD0000000, s2;
	s6 =	simm.s32 $0x108;
	_ =	swait.ge @!p0 [sflag:s8], $0x0  }
0x24: {  	s3 =	sadd.s32 $0x88, s3;
	s6 =	simm.s32 @!p1 $0x1082;
	[sflag:s4] =	ssyncset.s32 $0xFFFFF086  }
0x25: {  	[simem:s6], [sflag:s4] =	dma.local [hbm:s3], $0xF7A  }
0x26: {  	[smem:$0x3F9C] =	sst s1;
	(tag) =	ssettag s2;
	_ =	strace s9  }
0x27: {  	s1 =	sld [smem:$0x3FAC]  }
0x28: {  	s2 =	sld [smem:$0x3FAD]  }
0x29: {  	s4 =	sld [smem:$0x3FAF]  }
0x2a: {  	p0 =	seq.s32 s5, $0x0;
	s5 =	sld [smem:$0x3FB0]  }
0x2b: {  	s6 =	sld [smem:$0x3FB1]  }
0x2c: {  	s7 =	sld [smem:$0x3FB2]  }
0x2d: {  	s3 =	simm.s32 $0x108;
	s8 =	sld [smem:$0x3FB3]  }
0x2e: {  	s3 =	simm.s32 @!p0 $0x1082;
	s9 =	sld [smem:$0x3FB4]  }
0x2f: {  	lr =	sadd.s32 s0, s3;
	s0 =	sld [smem:$0x3FAB]  }
0x30: {  	s3 =	sld [smem:$0x3FAE]  }
0x31: {  	[smem:$0x3FB7] =	sst s10  }
0x32: {  	s10 =	sld [smem:$0x3FB5];
	_ =	sdelay $0x3  }
0x33: {  	p0 =	seq.s32 s10, $0x1;
	s10 =	sld [smem:$0x3FB7];
	_ =	sdelay $0x3  }
0x34: {  	[smem:$0x3FB7] =	sst s10  }
0x35: {  	s10 =	sld [smem:$0x3FB6];
	_ =	sdelay $0x3  }
0x36: {  	p1 =	seq.s32 s10, $0x1;
	s10 =	sld [smem:$0x3FB7];
	_ =	sdelay $0x3  }
0x37: {  	[smem:$0x3FB7] =	sst s10  }
0x38: {  	s10 =	sld [smem:$0x3FB8]  }
0x39: {  	_ = 	snop;
	(pc) =	sbr.ind lr, $3  }
0x3a: {  	_ = 	snop  }
0x3b: {  	_ = 	snop  }
0x3c: {  	p2 =	seq.s32 s10, $0x1;
	s10 =	sld [smem:$0x3FB7]  }
0x3d: {  	_ =	shalt  }
0x3e: {  	_ =	shalt  }
0x3f: {  	_ =	shalt  }
0x40: {  	_ =	shalt  }
0x41: {  	_ =	shalt  }
0x42: {  	_ =	shalt  }
0x43: {  	_ =	shalt  }
0x44: {  	_ =	shalt  }
0x45: {  	_ =	shalt  }
0x46: {  	_ =	shalt  }
0x47: {  	_ =	shalt  }
0x48: {  	_ =	shalt  }
0x49: {  	_ =	shalt  }
0x4a: {  	_ =	shalt  }
0x4b: {  	_ =	shalt  }
0x4c: {  	_ =	shalt  }
0x4d: {  	_ =	shalt  }
0x4e: {  	_ =	shalt  }
0x4f: {  	_ =	shalt  }
0x50: {  	_ =	shalt  }
0x51: {  	_ =	shalt  }
0x52: {  	_ =	shalt  }
0x53: {  	_ =	shalt  }
0x54: {  	_ =	shalt  }
0x55: {  	_ =	shalt  }
0x56: {  	_ =	shalt  }
0x57: {  	_ =	shalt  }
0x58: {  	_ =	shalt  }
0x59: {  	_ =	shalt  }
0x5a: {  	_ =	shalt  }
0x5b: {  	_ =	shalt  }
0x5c: {  	_ =	shalt  }
0x5d: {  	_ =	shalt  }
0x5e: {  	_ =	shalt  }
0x5f: {  	_ =	shalt  }
0x60: {  	_ =	shalt  }
0x61: {  	_ =	shalt  }
0x62: {  	_ =	shalt  }
0x63: {  	_ =	shalt  }
0x64: {  	_ =	shalt  }
0x65: {  	_ =	shalt  }
0x66: {  	_ =	shalt  }
0x67: {  	_ =	shalt  }
0x68: {  	_ =	shalt  }
0x69: {  	_ =	shalt  }
0x6a: {  	_ =	shalt  }
0x6b: {  	_ =	shalt  }
0x6c: {  	_ =	shalt  }
0x6d: {  	_ =	shalt  }
0x6e: {  	_ =	shalt  }
0x6f: {  	_ =	shalt  }
0x70: {  	_ =	shalt  }
0x71: {  	_ =	shalt  }
0x72: {  	_ =	shalt  }
0x73: {  	_ =	shalt  }
0x74: {  	_ =	shalt  }
0x75: {  	_ =	shalt  }
0x76: {  	_ =	shalt  }
0x77: {  	_ =	shalt  }
0x78: {  	_ =	shalt  }
0x79: {  	_ =	shalt  }
0x7a: {  	_ =	shalt  }
0x7b: {  	_ =	shalt  }
0x7c: {  	_ =	shalt  }
0x7d: {  	_ =	shalt  }
0x7e: {  	_ =	shalt  }
0x7f: {  	_ =	shalt  }
0x80: {  	_ =	shalt  }
0x81: {  	_ =	shalt  }
0x82: {  	_ =	shalt  }
0x83: {  	_ =	shalt  }
0x84: {  	_ =	shalt  }
0x85: {  	_ =	shalt  }
0x86: {  	_ =	shalt  }
0x87: {  	_ =	shalt  }
.Lfunc_end0:
.L_simem_size_0:
called_computation.1_lowered:
.L_overlay_start_0:
0x88: {  	s2 =	sld [smem:$0x3FD9]  }
0x89: {  	s3 =	sld [smem:$0x3FFE];
	_ =	sdelay $0x1  }
0x8a: {  	s1 =	srdreg.scid  }
0x8b: {  	s0 =	sand.u32 $0x1, s1  }
0x8c: {  	s17 =	sshll.u32 s0, $0xA;
	s2 =	sadd.s32 s3, s2  }
0x8d: {  	s2 =	sadd.s32 s2, s17  }
0x8e: {  	[smem:$0x3FC3] =	sst s2  }
0x8f: {  	_ = 	snop  }
0x90: {  	s2 =	sld [smem:$0x3FD0];
	(tm) =	ssettm $0x1  }
0x91: {  	s18 =	sld [smem:$0x3FFB];
	_ =	sdelay $0x3  }
0x92: {  	_ =	strace s18  }
0x93: {  	s3 =	sld [smem:$0x3FFC];
	_ =	sdelay $0x3  }
0x94: {  	_ =	strace s3  }
0x95: {  	s3 =	sld [smem:$0x3FFD];
	_ =	sdelay $0x3  }
0x96: {  	_ =	strace s3  }
0x97: {  	_ =	strace $0x8FFFFFFF  }
0x98: {  	s19 =	sld [smem:$0x3FDB];
	_ =	sdelay $0x1  }
0x99: {  	s4 =	simm.s32 $_scs_section_size  }
0x9a: {  	s5 =	simm.s32 $_size__tile_overlayer_lowered;
	s6 =	simm.s32 $_tile_overlayer_lowered  }
0x9b: {  	s22 =	simm.s32 $0x1BFF;
	s21 =	sshll.u32 s6, $0x1;
	s3 =	sadd.s32 s4, s19  }
0x9c: {  	s7 =	simm.s32 $0x0;
	s20 =	sshll.u32 s5, $0x1;
	s5 =	sadd.s32 s21, s3  }
0x9d: {  	[timem:s7], [sflag:s22] =	dma.local [hbm:s5], s20  }
0x9e: {  	_ =	swait.ge [sflag:s22], s20  }
0x9f: {  	s4 =	ssub.s32 $0x0, s20;
	[sflag:s22] =	ssyncset.done $0x0  }
0xa0: {  	[sflag:s22] =	ssyncadd.s32 s4;
	_ =	sdelay $0x1  }
0xa1: {  	s23 =	simm.s32 $0x1B8B  }
0xa2: {  	_ =	swait.ge [sflag:s23], $0x1  }
0xa3: {  	[sflag:s23] =	ssyncset.done $0x0  }
0xa4: {  	s25 =	simm.s32 $0x1B8E;
	s24 =	sld [smem:$0x3FFE];
	[sflag:s23] =	ssyncadd.s32 $0xFFFFFFFF  }
0xa5: {  	s26 =	simm.s32 $execute0_lowered;
	[smem:$0x3FD2] =	sst s25  }
0xa6: {  	s5 =	sshll.u32 s26, $0x1;
	_ =	strace $0x80000049;
	[dreg:$0x1] =	wrdreg $0xFFFFFFFF  }
0xa7: {  	s28 =	simm.s32 $_size_execute0_lowered;
	s3 =	sadd.s32 s3, s5;
	[dreg:$0x0] =	wrdreg $0x0  }
0xa8: {  	s5 =	sshll.u32 s28, $0x1;
	[dreg:$0x2] =	wrdreg s3  }
0xa9: {  	[dreg:$0x3] =	wrdreg s5  }
0xaa: {  	[dreg:$0x4] =	wrdreg $0xC0  }
0xab: {  	_ =	task [dreg:s7], $0x5FFFF  }
0xac: {  	[dreg:$0x1] =	wrdreg $0xFFFFFFFF  }
0xad: {  	[dreg:$0x0] =	wrdreg $0x60  }
0xae: {  	[dreg:$0x2] =	wrdreg s24  }
0xaf: {  	[dreg:$0x3] =	wrdreg s2  }
0xb0: {  	[dreg:$0x4] =	wrdreg $0x124800  }
0xb1: {  	[dreg:$0x5] =	wrdreg $0x9  }
0xb2: {  	_ =	task.clear_ibuf [dreg:s7], $0x6FFFF;
	_ =	strace $0x90000049  }
0xb3: {  	s29 =	simm.s32 $0x9;
	_ =	strace $0x8000004B  }
0xb4: {  	_ =	swait.ge [sflag:s29], $0x1  }
0xb5: {  	[sflag:s29] =	ssyncadd.s32 $0xFFFFFFFF  }
0xb6: {  	_ =	strace $0x9000004B  }
0xb7: {  	_ =	sfence  }
0xb8: {  	s30 =	sld [smem:$0x0];
	_ =	sdelay $0x2  }
0xb9: {  	s31 =	sshll.u32 s1, $0xD;
	s1 =	sshrl.u32 s1, $0x2  }
0xba: {  	s3 =	sand.u32 $0x4000, s31;
	s1 =	sadd.s32 s1, s30  }
0xbb: {  	s0 =	sor.u32 s3, s0;
	s1 =	sshll.u32 s1, $0x11  }
0xbc: {  	s0 =	sor.u32 s1, s0  }
0xbd: {  	s0 =	sadd.s32 $0x8F2B, s0  }
0xbe: {  	[sflag:s0] =	ssyncadd.remote.s32 $0x1  }
0xbf: {  	_ =	sfence.sel $0xFFFF  }
0xc0: {  	[dreg:$0x0] =	wrdreg $0xFFFFFFFF;
	(pc) =	sbr.abs _section_cstart, $3  }
0xc1: {  	[dreg:$0x1] =	wrdreg $0xFFFFFFFF  }
0xc2: {  	_ =	task.clear_ibuf [dreg:s7], $0x2FFFF;
	_ =	strace $0x9FFFFFFF  }
0xc3: {  	(tm) =	ssettm $0x7FFFFFFF  }
tec
execute0_lowered:
.L_overlay_start_1:
0x0: {  	(tag) =	ssettag $0x1  }
0x1: {  	s0 =	rddreg [dreg:$0x0]  }
0x2: {  	s9 =	rddreg [dreg:$0x1]  }
0x3: {  	s1 =	srdreg.scid;
	s2 =	rddreg [dreg:$0x2];
	s3 =	simm.s32 $0x0  }
0x4: {  	s13 =	simm.s32 $0x5;
	s15 =	simm.s32 $0xA000;
	s16 =	simm.s32 $0x80  }
0x5: {  	s17 =	simm.s32 $0xA080;
	s18 =	simm.s32 $0xE080;
	s6 =	sand.u32 $0x1, s1  }
0x6: {  	s19 =	simm.s32 $0x1;
	s1 =	stileid.u32;
	s14 =	smul.u32 $0x1400, s6  }
0x7: {  	s20 =	simm.s32 $0x3;
	s21 =	simm.s32 $0x2;
	s5 =	smul.u32 $0x140, s1  }
0x8: {  	s22 =	simm.s32 $0x4;
	s24 =	simm.s32 $0x9F80;
	s4 =	smul.u32 $0xA00, s1  }
0x9: {  	s26 =	simm.s32 $0x0;
	[smem:$0x7FF] =	sst s3;
	s10 =	smul.u32 $0x29000, s1  }
0xa: {  	_ =	strace $0x8000004A;
	s6 =	ssub.s32 $0x2, s6;
	s11 =	smul.u32 $0x28000, s1  }
0xb: {  	s30 =	sshrl.u32 s6, $0x1;
	s5 =	sadd.s32 s5, s14;
	s7 =	sadd.s32 s4, s0  }
0xc: {  	s10 =	sshrl.u32 s10, $0x2;
	s12 =	ssub.s32 s6, s30;
	s31 =	sshrl.u32 s11, $0x2  }
0xd: {  	s8 =	sshll.u32 s5, $0x4;
	s5 =	sadd.s32 $0x66800, s0;
	s6 =	sadd.s32 s10, s2  }
0xe: {  	s7 =	sadd.s32 $0xBC00, s7;
	s25 =	sadd.s32 s31, s2;
	s11 =	smax.u32 s12, $0x1  }
0xf: {  	s12 =	simm.s32 $0x12080;
	s0 =	sadd.s32 s8, s0;
	s8 =	sadd.s32 s9, s4  }
0x10: {  	v1 =	vimm.f32 $0.0e+00;
	v0 =	vmov s14;
	s9 =	sadd.s32 $0xA000, s9;
	s25 =	sshrl.u32 s25, $0x3;
	s10 =	sadd.s32 $0x8E800, s0  }
.LBB2_1:
0x11: {  	[tilespmem:$0x12080] =	vst v1  }
0x12: {  	[tilespmem:$0x12090] =	vst v1  }
0x13: {  	[tilespmem:$0x120A0] =	vst v1  }
0x14: {  	[tilespmem:$0x120B0] =	vst v1  }
0x15: {  	[tilespmem:$0x120C0] =	vst v1  }
0x16: {  	[tilespmem:$0x120D0] =	vst v1  }
0x17: {  	[tilespmem:$0x120E0] =	vst v1  }
0x18: {  	[tilespmem:$0x120F0] =	vst v1  }
0x19: {  	[tilespmem:$0x12100] =	vst v1  }
0x1a: {  	[tilespmem:$0x12110] =	vst v1  }
0x1b: {  	[tilespmem:$0x12120] =	vst v1  }
0x1c: {  	[tilespmem:$0x12130] =	vst v1  }
0x1d: {  	[tilespmem:$0x12140] =	vst v1  }
0x1e: {  	[tilespmem:$0x12150] =	vst v1  }
0x1f: {  	[tilespmem:$0x12160] =	vst v1  }
0x20: {  	[tilespmem:$0x12170] =	vst v1  }
0x21: {  	[tilespmem:$0x12180] =	vst v1  }
0x22: {  	[tilespmem:$0x12190] =	vst v1  }
0x23: {  	[tilespmem:$0x121A0] =	vst v1  }
0x24: {  	[tilespmem:$0x121B0] =	vst v1  }
0x25: {  	[tilespmem:$0x121C0] =	vst v1  }
0x26: {  	[tilespmem:$0x121D0] =	vst v1  }
0x27: {  	[tilespmem:$0x121E0] =	vst v1  }
0x28: {  	[tilespmem:$0x121F0] =	vst v1  }
0x29: {  	[tilespmem:$0x12200] =	vst v1  }
0x2a: {  	[tilespmem:$0x12210] =	vst v1  }
0x2b: {  	[tilespmem:$0x12220] =	vst v1  }
0x2c: {  	[tilespmem:$0x12230] =	vst v1  }
0x2d: {  	[tilespmem:$0x12240] =	vst v1  }
0x2e: {  	[tilespmem:$0x12250] =	vst v1  }
0x2f: {  	[tilespmem:$0x12260] =	vst v1  }
0x30: {  	[tilespmem:$0x12270] =	vst v1  }
0x31: {  	[tilespmem:$0x12280] =	vst v1  }
0x32: {  	[tilespmem:$0x12290] =	vst v1  }
0x33: {  	[tilespmem:$0x122A0] =	vst v1  }
0x34: {  	[tilespmem:$0x122B0] =	vst v1  }
0x35: {  	[tilespmem:$0x122C0] =	vst v1  }
0x36: {  	[tilespmem:$0x122D0] =	vst v1  }
0x37: {  	[tilespmem:$0x122E0] =	vst v1  }
0x38: {  	[tilespmem:$0x122F0] =	vst v1  }
0x39: {  	[tilespmem:$0x12300] =	vst v1  }
0x3a: {  	[tilespmem:$0x12310] =	vst v1  }
0x3b: {  	[tilespmem:$0x12320] =	vst v1  }
0x3c: {  	[tilespmem:$0x12330] =	vst v1  }
0x3d: {  	[tilespmem:$0x12340] =	vst v1  }
0x3e: {  	[tilespmem:$0x12350] =	vst v1  }
0x3f: {  	[tilespmem:$0x12360] =	vst v1  }
0x40: {  	[tilespmem:$0x12370] =	vst v1  }
0x41: {  	[tilespmem:$0x12380] =	vst v1  }
0x42: {  	[tilespmem:$0x12390] =	vst v1  }
0x43: {  	[tilespmem:$0x123A0] =	vst v1  }
0x44: {  	[tilespmem:$0x123B0] =	vst v1  }
0x45: {  	[tilespmem:$0x123C0] =	vst v1  }
0x46: {  	[tilespmem:$0x123D0] =	vst v1  }
0x47: {  	[tilespmem:$0x123E0] =	vst v1  }
0x48: {  	[tilespmem:$0x123F0] =	vst v1  }
0x49: {  	[tilespmem:$0x12400] =	vst v1  }
0x4a: {  	[tilespmem:$0x12410] =	vst v1  }
0x4b: {  	[tilespmem:$0x12420] =	vst v1  }
0x4c: {  	[tilespmem:$0x12430] =	vst v1  }
0x4d: {  	[tilespmem:$0x12440] =	vst v1  }
0x4e: {  	[tilespmem:$0x12450] =	vst v1  }
0x4f: {  	[tilespmem:$0x12460] =	vst v1  }
0x50: {  	[tilespmem:$0x12470] =	vst v1;
	s0 =	sadd.s32 $0x0, s6  }
0x51: {  	[spmem:s0] =	stream.linear.scatter [tilespmem:s12], [sflag:$0x5], $0x400, $0x38;
	[tilespmem:$0x1C880] =	vst v63  }
0x52: {  	s28 =	simm.s32 $0x1000;
	_ =	swait.ge [sflag:s13], $0x400  }
.LBB2_2:
0x53: {  	s0 =	sshra.s32 s28, $0x2;
	[sflag:s13] =	ssyncset.done $0x0;
	p0 =	sne.s32 s28, $0x28000  }
.Ltmp0:
0x54: {  	s0 =	sadd.s32 s0, s6;
	[sflag:s13] =	ssyncadd.s32 $0xFFFFFC00;
	(pc) =	sbr.rel @p0 .LBB2_2-.Ltmp0, $3  }
0x55: {  	[spmem:s0] =	stream.linear.scatter [tilespmem:s12], [sflag:$0x5], $0x400, $0x38;
	[tilespmem:$0x1C880] =	vst v63  }
0x56: {  	s28 =	sadd.s32 $0x1000, s28;
	_ =	sdelay $0x1  }
0x57: {  	_ =	swait.ge [sflag:s13], $0x400  }
0x58: {  	[sflag:s13] =	ssyncset.done $0x0  }
0x59: {  	[sflag:s13] =	ssyncadd.s32 $0xFFFFFC00  }
0x5a: {  	s0 =	simm.s32 $0x0;
	[bflag:$0x0] =	sbarrier.arrive $0xFFFF  }
0x5b: {  	[tilespmem:s0], [sflag:$0x5] =	stream.linear.gather [hbm4b:s7+s0], $0x5000, $0x38;
	[tilespmem:$0x1C880] =	vst v63  }
0x5c: {  	_ =	swait.ge [sflag:s13], $0x5000  }
0x5d: {  	[sflag:s13] =	ssyncset.done $0x0  }
0x5e: {  	s14 =	simm.s32 $0x5000;
	[sflag:s13] =	ssyncadd.s32 $0xFFFFB000  }
0x5f: {  	[tilespmem:s14], [sflag:$0x5] =	stream.linear.gather [hbm4b:s8+s0], $0x5000, $0x38;
	[tilespmem:$0x1C880] =	vst v63  }
0x60: {  	s23 =	sadd.s32 $0x0, s4;
	s0 =	sand.u32 $0x70, s0;
	_ =	swait.ge [sflag:s13], $0x5000  }
0x61: {  	s14 =	sand.u32 $0x1FF80, s23;
	s0 =	sadd.s32 s0, s9;
	[sflag:s13] =	ssyncset.done $0x0  }
0x62: {  	s0 =	sadd.s32 s14, s0;
	[sflag:s13] =	ssyncadd.s32 $0xFFFFB000  }
0x63: {  	[tilespmem:s15], [sflag:$0x5] =	stream.linear.gather [hbm4b:s0+s3], $0x80, $0x38;
	[tilespmem:$0x1C880] =	vst v63  }
0x64: {  	_ =	swait.ge [sflag:s13], $0x80  }
0x65: {  	[sflag:s13] =	ssyncset.done $0x0  }
0x66: {  	s29 =	simm.s32 $0x5040;
	[sflag:s13] =	ssyncadd.s32 $0xFFFFFF80  }
0x67: {  	v2 =	vld [tilespmem:s29+$0xFFFFFFC0]  }
0x68: {  	v3 =	vld [tilespmem:$0xA000];
	_ =	sdelay $0x4  }
0x69: {  	vm0 =	vlt.s32 v2, v3  }
0x6a: {  	v2 =	vsel vm0, v2, v3  }
0x6b: {  	v2 =	vsub.s32 v2, v0  }
0x6c: {  	v2 =	vmin.u32 v2, $0x1400  }
0x6d: {  	[tilespmem:s29+$0xFFFFFFC0] =	vst v2;
	v2 =	vld [tilespmem:s29+$0xFFFFFFD0]  }
0x6e: {  	v4 =	vld [tilespmem:$0xA010];
	_ =	sdelay $0x4  }
0x6f: {  	vm9 =	vlt.s32 v2, v4  }
0x70: {  	v2 =	vsel vm9, v2, v4  }
0x71: {  	v2 =	vsub.s32 v2, v0  }
0x72: {  	v2 =	vmin.u32 v2, $0x1400  }
0x73: {  	[tilespmem:s29+$0xFFFFFFD0] =	vst v2;
	v2 =	vld [tilespmem:s29+$0xFFFFFFE0]  }
0x74: {  	v63 =	vld [tilespmem:$0xA020];
	_ =	sdelay $0x4  }
0x75: {  	vm10 =	vlt.s32 v2, v63  }
0x76: {  	v2 =	vsel vm10, v2, v63  }
0x77: {  	v2 =	vsub.s32 v2, v0  }
0x78: {  	v2 =	vmin.u32 v2, $0x1400  }
0x79: {  	v3 =	vld [tilespmem:s29+$0xFFFFFFF0];
	[tilespmem:s29+$0xFFFFFFE0] =	vst v2  }
0x7a: {  	v2 =	vld [tilespmem:$0xA030];
	_ =	sdelay $0x4  }
0x7b: {  	vm11 =	vlt.s32 v3, v2  }
0x7c: {  	v2 =	vsel vm11, v3, v2  }
0x7d: {  	v2 =	vsub.s32 v2, v0  }
0x7e: {  	v2 =	vmin.u32 v2, $0x1400  }
0x7f: {  	[tilespmem:s29+$0xFFFFFFF0] =	vst v2;
	v2 =	vld [tilespmem:s29+$0x0]  }
0x80: {  	v3 =	vld [tilespmem:$0xA040];
	_ =	sdelay $0x4  }
0x81: {  	vm12 =	vlt.s32 v2, v3  }
0x82: {  	v2 =	vsel vm12, v2, v3  }
0x83: {  	v2 =	vsub.s32 v2, v0  }
0x84: {  	v2 =	vmin.u32 v2, $0x1400  }
0x85: {  	[tilespmem:s29+$0x0] =	vst v2;
	v2 =	vld [tilespmem:s29+$0x10]  }
0x86: {  	v3 =	vld [tilespmem:$0xA050];
	_ =	sdelay $0x4  }
0x87: {  	vm13 =	vlt.s32 v2, v3  }
0x88: {  	v2 =	vsel vm13, v2, v3  }
0x89: {  	v2 =	vsub.s32 v2, v0  }
0x8a: {  	v2 =	vmin.u32 v2, $0x1400  }
0x8b: {  	[tilespmem:s29+$0x10] =	vst v2;
	v2 =	vld [tilespmem:s29+$0x20]  }
0x8c: {  	v3 =	vld [tilespmem:$0xA060];
	_ =	sdelay $0x4  }
0x8d: {  	vm14 =	vlt.s32 v2, v3  }
0x8e: {  	v2 =	vsel vm14, v2, v3  }
0x8f: {  	v2 =	vsub.s32 v2, v0  }
0x90: {  	v2 =	vmin.u32 v2, $0x1400  }
0x91: {  	[tilespmem:s29+$0x20] =	vst v2;
	v2 =	vld [tilespmem:s29+$0x30]  }
0x92: {  	v3 =	vld [tilespmem:$0xA070];
	_ =	sdelay $0x4  }
0x93: {  	vm15 =	vlt.s32 v2, v3  }
0x94: {  	s30 =	simm.s32 $0x20;
	s23 =	simm.s32 $0x10;
	v2 =	vsel vm15, v2, v3  }
0x95: {  	s28 =	simm.s32 $0x50C0;
	s31 =	sand.u32 $0x70, s23;
	s14 =	sadd.s32 $0x10, s4;
	v2 =	vsub.s32 v2, v0  }
.LBB2_4:
0x96: {  	s14 =	sand.u32 $0x1FF80, s14  }
0x97: {  	s23 =	sadd.s32 s31, s9;
	v2 =	vmin.u32 v2, $0x1400;
	s31 =	smov.u32 s30;
	s0 =	sadd.s32 $0x10, s30  }
0x98: {  	p0 =	sne.s32 s30, $0x9F0;
	s14 =	sadd.s32 s14, s23;
	[tilespmem:s29+$0x30] =	vst v2;
	s29 =	smov.u32 s28  }
0x99: {  	[tilespmem:s15], [sflag:$0x5] =	stream.linear.gather [hbm4b:s14+s3], $0x80, $0x38;
	[tilespmem:$0x1C880] =	vst v63  }
0x9a: {  	_ =	swait.ge [sflag:s13], $0x80  }
0x9b: {  	[sflag:s13] =	ssyncset.done $0x0  }
0x9c: {  	[sflag:s13] =	ssyncadd.s32 $0xFFFFFF80  }
0x9d: {  	v2 =	vld [tilespmem:s28+$0xFFFFFFC0]  }
0x9e: {  	v3 =	vld [tilespmem:$0xA000]  }
0x9f: {  	v4 =	vld [tilespmem:s28+$0xFFFFFFF0];
	_ =	sdelay $0x3  }
0xa0: {  	vm0 =	vlt.s32 v2, v3  }
0xa1: {  	v2 =	vsel vm0, v2, v3  }
0xa2: {  	v2 =	vsub.s32 v2, v0  }
0xa3: {  	v2 =	vmin.u32 v2, $0x1400  }
0xa4: {  	[tilespmem:s28+$0xFFFFFFC0] =	vst v2;
	v2 =	vld [tilespmem:s28+$0xFFFFFFD0]  }
0xa5: {  	v3 =	vld [tilespmem:$0xA010];
	_ =	sdelay $0x4  }
0xa6: {  	vm0 =	vlt.s32 v2, v3  }
0xa7: {  	v2 =	vsel vm0, v2, v3  }
0xa8: {  	v2 =	vsub.s32 v2, v0  }
0xa9: {  	v2 =	vmin.u32 v2, $0x1400  }
0xaa: {  	[tilespmem:s28+$0xFFFFFFD0] =	vst v2;
	v2 =	vld [tilespmem:s28+$0xFFFFFFE0]  }
0xab: {  	v3 =	vld [tilespmem:$0xA020];
	_ =	sdelay $0x4  }
0xac: {  	vm0 =	vlt.s32 v2, v3  }
0xad: {  	v2 =	vsel vm0, v2, v3  }
0xae: {  	v2 =	vsub.s32 v2, v0  }
0xaf: {  	v2 =	vmin.u32 v2, $0x1400  }
0xb0: {  	[tilespmem:s28+$0xFFFFFFE0] =	vst v2  }
0xb1: {  	v2 =	vld [tilespmem:$0xA030];
	_ =	sdelay $0x4  }
0xb2: {  	vm0 =	vlt.s32 v4, v2  }
0xb3: {  	v2 =	vsel vm0, v4, v2  }
0xb4: {  	v2 =	vsub.s32 v2, v0  }
0xb5: {  	v2 =	vmin.u32 v2, $0x1400  }
0xb6: {  	[tilespmem:s28+$0xFFFFFFF0] =	vst v2;
	v2 =	vld [tilespmem:s28+$0x0]  }
0xb7: {  	v3 =	vld [tilespmem:$0xA040];
	_ =	sdelay $0x4  }
0xb8: {  	vm0 =	vlt.s32 v2, v3  }
0xb9: {  	v2 =	vsel vm0, v2, v3  }
0xba: {  	v2 =	vsub.s32 v2, v0  }
0xbb: {  	v2 =	vmin.u32 v2, $0x1400  }
0xbc: {  	[tilespmem:s28+$0x0] =	vst v2;
	v2 =	vld [tilespmem:s28+$0x10]  }
0xbd: {  	v3 =	vld [tilespmem:$0xA050];
	_ =	sdelay $0x4  }
0xbe: {  	vm0 =	vlt.s32 v2, v3  }
0xbf: {  	v2 =	vsel vm0, v2, v3  }
0xc0: {  	v2 =	vsub.s32 v2, v0  }
0xc1: {  	v2 =	vmin.u32 v2, $0x1400  }
0xc2: {  	[tilespmem:s28+$0x10] =	vst v2;
	v2 =	vld [tilespmem:s28+$0x20]  }
0xc3: {  	v3 =	vld [tilespmem:$0xA060];
	_ =	sdelay $0x4  }
0xc4: {  	vm0 =	vlt.s32 v2, v3  }
0xc5: {  	v2 =	vsel vm0, v2, v3  }
0xc6: {  	v2 =	vsub.s32 v2, v0  }
0xc7: {  	v2 =	vmin.u32 v2, $0x1400  }
0xc8: {  	[tilespmem:s28+$0x20] =	vst v2;
	v2 =	vld [tilespmem:s28+$0x30]  }
0xc9: {  	v3 =	vld [tilespmem:$0xA070];
	_ =	sdelay $0x2  }
.Ltmp1:
0xca: {  	(pc) =	sbr.rel @p0 .LBB2_4-.Ltmp1, $4  }
0xcb: {  	_ = 	snop  }
0xcc: {  	vm0 =	vlt.s32 v2, v3  }
0xcd: {  	s30 =	smov.u32 s0;
	v2 =	vsel vm0, v2, v3  }
0xce: {  	s14 =	sadd.s32 s31, s4;
	s31 =	sand.u32 $0x70, s31;
	s28 =	sadd.s32 $0x80, s28;
	v2 =	vsub.s32 v2, v0  }
0xcf: {  	s0 =	sand.u32 $0x1FF80, s14;
	s31 =	sadd.s32 s31, s9;
	v2 =	vmin.u32 v2, $0x1400  }
0xd0: {  	s0 =	sadd.s32 s0, s31;
	[tilespmem:s29+$0x30] =	vst v2  }
0xd1: {  	[tilespmem:s15], [sflag:$0x5] =	stream.linear.gather [hbm4b:s0+s3], $0x80, $0x38;
	[tilespmem:$0x1C880] =	vst v63  }
0xd2: {  	_ =	swait.ge [sflag:s13], $0x80  }
0xd3: {  	[sflag:s13] =	ssyncset.done $0x0  }
0xd4: {  	[sflag:s13] =	ssyncadd.s32 $0xFFFFFF80  }
0xd5: {  	v2 =	vld [tilespmem:s28+$0xFFFFFFC0]  }
0xd6: {  	v3 =	vld [tilespmem:$0xA000];
	_ =	sdelay $0x4  }
0xd7: {  	vm0 =	vlt.s32 v2, v3  }
0xd8: {  	v2 =	vsel vm0, v2, v3  }
0xd9: {  	v2 =	vsub.s32 v2, v0  }
0xda: {  	v2 =	vmin.u32 v2, $0x1400  }
0xdb: {  	[tilespmem:s28+$0xFFFFFFC0] =	vst v2;
	v2 =	vld [tilespmem:s28+$0xFFFFFFD0]  }
0xdc: {  	v4 =	vld [tilespmem:$0xA010];
	_ =	sdelay $0x4  }
0xdd: {  	vm9 =	vlt.s32 v2, v4  }
0xde: {  	v2 =	vsel vm9, v2, v4  }
0xdf: {  	v2 =	vsub.s32 v2, v0  }
0xe0: {  	v2 =	vmin.u32 v2, $0x1400  }
0xe1: {  	[tilespmem:s28+$0xFFFFFFD0] =	vst v2;
	v2 =	vld [tilespmem:s28+$0xFFFFFFE0]  }
0xe2: {  	v63 =	vld [tilespmem:$0xA020];
	_ =	sdelay $0x4  }
0xe3: {  	vm10 =	vlt.s32 v2, v63  }
0xe4: {  	v2 =	vsel vm10, v2, v63  }
0xe5: {  	v2 =	vsub.s32 v2, v0  }
0xe6: {  	v2 =	vmin.u32 v2, $0x1400  }
0xe7: {  	v3 =	vld [tilespmem:s28+$0xFFFFFFF0];
	[tilespmem:s28+$0xFFFFFFE0] =	vst v2  }
0xe8: {  	v2 =	vld [tilespmem:$0xA030];
	_ =	sdelay $0x4  }
0xe9: {  	vm11 =	vlt.s32 v3, v2  }
0xea: {  	v2 =	vsel vm11, v3, v2  }
0xeb: {  	v2 =	vsub.s32 v2, v0  }
0xec: {  	v2 =	vmin.u32 v2, $0x1400  }
0xed: {  	[tilespmem:s28+$0xFFFFFFF0] =	vst v2;
	v2 =	vld [tilespmem:s28+$0x0]  }
0xee: {  	v3 =	vld [tilespmem:$0xA040];
	_ =	sdelay $0x4  }
0xef: {  	vm12 =	vlt.s32 v2, v3  }
0xf0: {  	v2 =	vsel vm12, v2, v3  }
0xf1: {  	v2 =	vsub.s32 v2, v0  }
0xf2: {  	v2 =	vmin.u32 v2, $0x1400  }
0xf3: {  	[tilespmem:s28+$0x0] =	vst v2;
	v2 =	vld [tilespmem:s28+$0x10]  }
0xf4: {  	v3 =	vld [tilespmem:$0xA050];
	_ =	sdelay $0x4  }
0xf5: {  	vm13 =	vlt.s32 v2, v3  }
0xf6: {  	v2 =	vsel vm13, v2, v3  }
0xf7: {  	v2 =	vsub.s32 v2, v0  }
0xf8: {  	v2 =	vmin.u32 v2, $0x1400  }
0xf9: {  	[tilespmem:s28+$0x10] =	vst v2;
	v2 =	vld [tilespmem:s28+$0x20]  }
0xfa: {  	v3 =	vld [tilespmem:$0xA060];
	_ =	sdelay $0x4  }
0xfb: {  	vm14 =	vlt.s32 v2, v3  }
0xfc: {  	v2 =	vsel vm14, v2, v3  }
0xfd: {  	v2 =	vsub.s32 v2, v0  }
0xfe: {  	v2 =	vmin.u32 v2, $0x1400  }
0xff: {  	[tilespmem:s28+$0x20] =	vst v2;
	v2 =	vld [tilespmem:s28+$0x30]  }
0x100: {  	v3 =	vld [tilespmem:$0xA070];
	_ =	sdelay $0x4  }
0x101: {  	vm15 =	vlt.s32 v2, v3  }
0x102: {  	v2 =	vsel vm15, v2, v3  }
0x103: {  	v2 =	vsub.s32 v2, v0  }
0x104: {  	v2 =	vmin.u32 v2, $0x1400  }
0x105: {  	s23 =	simm.s32 $0x0;
	[tilespmem:s28+$0x30] =	vst v2  }
0x106: {  	[tilespmem:s17], [sflag:$0x1] =	stream.indirect.gather [hbm4b:s5+s16], $0x80, s23, s16, $0xb8;
	[tilespmem:$0x1C880] =	vst v63  }
0x107: {  	_ = 	snop  }
0x108: {  	[tilespmem:s18], [sflag:$0x2] =	stream.indirect.gather [hbm4b:s5+s16], $0x80, s16, s16, $0xb8;
	[tilespmem:$0x1C880] =	vst v63  }
0x109: {  	_ =	swait.ge [sflag:s19], $0x4000  }
0x10a: {  	[sflag:s19] =	ssyncset.done $0x0  }
0x10b: {  	s29 =	simm.s32 $0x5000;
	[sflag:s19] =	ssyncadd.s32 $0xFFFFC000  }
0x10c: {  	[spmem:s2] =	stream.indirect.scatter.add.f32 [tilespmem:s17], [sflag:$0x3], $0x80, s29, s16, $0xb8;
	[tilespmem:$0x1C880] =	vst v63  }
0x10d: {  	_ =	swait.ge [sflag:s20], $0x4000  }
0x10e: {  	[sflag:s20] =	ssyncset.done $0x0  }
0x10f: {  	s30 =	simm.s32 $0x100;
	[sflag:s20] =	ssyncadd.s32 $0xFFFFC000  }
0x110: {  	[tilespmem:s17], [sflag:$0x1] =	stream.indirect.gather [hbm4b:s5+s16], $0x80, s30, s16, $0xb8;
	[tilespmem:$0x1C880] =	vst v63  }
0x111: {  	_ =	swait.ge [sflag:s21], $0x4000  }
0x112: {  	[sflag:s21] =	ssyncset.done $0x0  }
0x113: {  	s31 =	simm.s32 $0x5080;
	[sflag:s21] =	ssyncadd.s32 $0xFFFFC000  }
0x114: {  	[spmem:s2] =	stream.indirect.scatter.add.f32 [tilespmem:s18], [sflag:$0x4], $0x80, s31, s16, $0xb8;
	[tilespmem:$0x1C880] =	vst v63  }
0x115: {  	_ =	swait.ge [sflag:s22], $0x4000  }
0x116: {  	[sflag:s22] =	ssyncset.done $0x0  }
0x117: {  	s0 =	simm.s32 $0x180;
	s28 =	simm.s32 $0x400;
	[sflag:s22] =	ssyncadd.s32 $0xFFFFC000  }
.LBB2_6:
0x118: {  	[tilespmem:s18], [sflag:$0x2] =	stream.indirect.gather [hbm4b:s5+s16], $0x80, s0, s16, $0xb8;
	[tilespmem:$0x1C880] =	vst v63  }
0x119: {  	s0 =	smov.u32 s28  }
0x11a: {  	p0 =	sne.s32 s28, $0x13800;
	s28 =	sadd.s32 $0x400, s28;
	_ =	swait.ge [sflag:s19], $0x4000  }
0x11b: {  	s0 =	sshra.s32 s0, $0x2;
	[sflag:s19] =	ssyncset.done $0x0  }
0x11c: {  	s14 =	sadd.s32 $0x5000, s0;
	[sflag:s19] =	ssyncadd.s32 $0xFFFFC000  }
0x11d: {  	[spmem:s2] =	stream.indirect.scatter.add.f32 [tilespmem:s17], [sflag:$0x3], $0x80, s14, s16, $0xb8;
	[tilespmem:$0x1C880] =	vst v63  }
0x11e: {  	_ =	swait.ge [sflag:s20], $0x4000  }
0x11f: {  	[sflag:s20] =	ssyncset.done $0x0  }
0x120: {  	s14 =	sadd.s32 $0x100, s0;
	[sflag:s20] =	ssyncadd.s32 $0xFFFFC000  }
0x121: {  	[tilespmem:s17], [sflag:$0x1] =	stream.indirect.gather [hbm4b:s5+s16], $0x80, s14, s16, $0xb8;
	[tilespmem:$0x1C880] =	vst v63  }
0x122: {  	_ =	swait.ge [sflag:s21], $0x4000  }
0x123: {  	[sflag:s21] =	ssyncset.done $0x0  }
.Ltmp2:
0x124: {  	s14 =	sadd.s32 $0x5080, s0;
	[sflag:s21] =	ssyncadd.s32 $0xFFFFC000;
	(pc) =	sbr.rel @p0 .LBB2_6-.Ltmp2, $4  }
0x125: {  	[spmem:s2] =	stream.indirect.scatter.add.f32 [tilespmem:s18], [sflag:$0x4], $0x80, s14, s16, $0xb8;
	[tilespmem:$0x1C880] =	vst v63  }
0x126: {  	_ =	swait.ge [sflag:s22], $0x4000  }
0x127: {  	[sflag:s22] =	ssyncset.done $0x0  }
0x128: {  	s0 =	sadd.s32 $0x180, s0;
	[sflag:s22] =	ssyncadd.s32 $0xFFFFC000  }
0x129: {  	[tilespmem:s18], [sflag:$0x2] =	stream.indirect.gather [hbm4b:s5+s16], $0x80, s0, s16, $0xb8;
	[tilespmem:$0x1C880] =	vst v63  }
0x12a: {  	_ =	swait.ge [sflag:s19], $0x4000  }
0x12b: {  	[sflag:s19] =	ssyncset.done $0x0  }
0x12c: {  	s30 =	simm.s32 $0x9F00;
	[sflag:s19] =	ssyncadd.s32 $0xFFFFC000  }
0x12d: {  	[spmem:s2] =	stream.indirect.scatter.add.f32 [tilespmem:s17], [sflag:$0x5], $0x80, s30, s16, $0xb8;
	[tilespmem:$0x1C880] =	vst v63  }
0x12e: {  	_ =	swait.ge [sflag:s13], $0x4000  }
0x12f: {  	[sflag:s13] =	ssyncset.done $0x0  }
0x130: {  	[sflag:s13] =	ssyncadd.s32 $0xFFFFC000  }
0x131: {  	_ =	swait.ge [sflag:s21], $0x4000  }
0x132: {  	[sflag:s21] =	ssyncset.done $0x0  }
0x133: {  	[sflag:s21] =	ssyncadd.s32 $0xFFFFC000  }
0x134: {  	[spmem:s2] =	stream.indirect.scatter.add.f32 [tilespmem:s18], [sflag:$0x5], $0x80, s24, s16, $0xb8;
	[tilespmem:$0x1C880] =	vst v63  }
0x135: {  	_ =	swait.ge [sflag:s13], $0x4000  }
0x136: {  	s26 =	sadd.s32 $0x1, s26;
	[sflag:s13] =	ssyncset.done $0x0  }
0x137: {  	s31 =	sshll.u32 s1, $0x6;
	p0 =	sne.s32 s26, s11;
	[sflag:s13] =	ssyncadd.s32 $0xFFFFC000  }
.Ltmp3:
0x138: {  	s0 =	sor.u32 $0x1C05, s31;
	[bflag:$0x0] =	sbarrier.arrive $0xFFFF;
	(pc) =	sbr.rel @p0 .LBB2_1-.Ltmp3, $4  }
0x139: {  	[hbm:s10], [sflag:s0] =	dma.local [spmem:s25], $0x1400  }
0x13a: {  	_ =	swait.ge [sflag:s13], $0x1400  }
0x13b: {  	[sflag:s13] =	ssyncset.done $0x0  }
0x13c: {  	[sflag:s13] =	ssyncadd.s32 $0xFFFFEC00  }
0x13d: {  	_ =	sfence.sel $0x180000  }
0x13e: {  	[bflag:$0x0] =	sbarrier.arrive $0xFFFF  }
0x13f: {  	_ =	strace $0x9000004A  }
0x140: {  	[bflag:$0x2] =	sbarrier.arrive $0xFFFF  }
0x141: {  	p0 =	sne.s32 s1, $0x0;
	s0 =	rddreg [dreg:$0x3]  }
0x142: {  	s0 =	sadd.s32 @!p0 $0x100000, s0  }
0x143: {  	[sflag:s0] =	ssyncadd.tile.s32 @!p0 $0x1;
	_ =	shalt  }
.Lfunc_end2:
_tile_overlayer_lowered:
.L_overlay_start_2:
0x144: {  	(tag) =	ssettag $0x2  }
0x145: {  	s0 =	rddreg [dreg:$0x0];
	s2 =	stileid.u32  }
0x146: {  	s1 =	rddreg [dreg:$0x1];
	p0 =	sne.s32 s2, $0x0  }
0x147: {  	s3 =	rddreg [dreg:$0x2];
	[bflag:$0x3] =	sbarrier.arrive $0xFFFF;
	s2 =	simm.s32 @!p0 $0x1C05  }
0x148: {  	[timem:s3], [sflag:s2] =	dma.local @!p0 [hbm:s0], s1  }
0x149: {  	s0 =	simm.s32 @!p0 $0x5  }
0x14a: {  	_ =	swait.ge @!p0 [sflag:s0], s1  }
0x14b: {  	s1 =	ssub.s32 @!p0 $0x0, s1;
	[sflag:s0] =	ssyncset.done @!p0 $0x0  }
0x14c: {  	[sflag:s0] =	ssyncadd.s32 @!p0 s1  }
0x14d: {  	[bflag:$0x3] =	sbarrier.arrive $0xFFFF  }
0x14e: {  	_ =	shalt  }

</sc_bundles>
